<compile_context>
chip_gen: v7x
topology: tpu7x:2x2x1
jax: 0.10.2.dev20260603
libtpu: 0.0.44.dev20260713+nightly
codegen_flags: <defaults>
</compile_context>

<pallas_src>
import functools

import jax
import jax.numpy as jnp
from jax import lax
from jax.experimental import pallas as pl
from jax.experimental.pallas import tpu as pltpu
from jax.experimental.pallas import tpu_sc as plsc

NC = 2
NS = 16
LANES = 16
NW = NC * NS
K = 128


def _sc_mesh():
    return plsc.VectorSubcoreMesh(
        core_axis_name="c", subcore_axis_name="s", num_cores=NC, num_subcores=NS
    )


def _make_deg_fn(E_pad, N_pad):
    PT = E_pad // NW
    n_chunks = PT // K

    def body(col_hbm, out_hbm, hist, cidx, isem):
        c = lax.axis_index("c")
        s = lax.axis_index("s")
        tid = c * NS + s

        pltpu.async_copy(col_hbm.at[pl.ds(tid * PT, PT)], cidx, isem)

        def zfill(i, carry):
            hist[pl.ds(i * LANES, LANES)] = jnp.zeros((LANES,), jnp.float32)
            return carry

        lax.fori_loop(0, N_pad // LANES, zfill, 0)
        pltpu.make_async_copy(col_hbm.at[pl.ds(0, PT)], cidx, isem).wait()

        ones_v = jnp.ones((LANES,), jnp.float32)

        def chunk(j, carry):
            for t in range(K // LANES):
                iv = cidx[pl.ds(j * K + t * LANES, LANES)]
                plsc.addupdate_scatter(hist, [iv], ones_v)
            return carry

        lax.fori_loop(0, n_chunks, chunk, 0)
        pltpu.sync_copy(hist, out_hbm.at[pl.ds(tid * N_pad, N_pad)])

    return pl.kernel(
        body,
        out_type=jax.ShapeDtypeStruct((NW * N_pad,), jnp.float32),
        mesh=_sc_mesh(),
        compiler_params=pltpu.CompilerParams(needs_layout_passes=False),
        scratch_types=[
            pltpu.VMEM((N_pad,), jnp.float32),
            pltpu.VMEM((PT,), jnp.int32),
            pltpu.SemaphoreType.DMA,
        ],
    )


NBUF = 4
KM = 32


def _make_scatter_fn(E_pad, N_tab, N_acc, C):
    PT = E_pad // NS
    n_chunks = PT // KM
    H = N_tab // 2
    RT = H // NS
    RA = N_acc // NS

    def body(g_hbm, row_hbm, col_hbm, out_hbm, *refs):
        rows = refs[0:2]
        ridx = refs[2:2 + NBUF]
        cidx = refs[2 + NBUF:2 + 2 * NBUF]
        tab = refs[2 + 2 * NBUF]
        acc = refs[3 + 2 * NBUF]
        gsem = refs[4 + 2 * NBUF:6 + 2 * NBUF]
        ssem = refs[6 + 2 * NBUF:8 + 2 * NBUF]
        isem = refs[8 + 2 * NBUF:8 + 3 * NBUF]
        c = lax.axis_index("c")
        s = lax.axis_index("s")
        lo = c * H

        pltpu.sync_copy(
            g_hbm.at[pl.ds(lo + s * RT, RT)], tab.at[pl.ds(s * RT, RT)]
        )

        def zfill(i, carry):
            for t in range(C // LANES):
                rows[0][i, pl.ds(t * LANES, LANES)] = jnp.zeros((LANES,), jnp.float32)
            return carry

        lax.fori_loop(0, KM, zfill, 0)
        abase = s * RA
        for k in range(RA // KM):
            pltpu.sync_copy(rows[0], acc.at[pl.ds(abase + k * KM, KM)])
        rem = RA % KM
        if rem:
            pltpu.sync_copy(
                rows[0].at[pl.ds(0, rem)], acc.at[pl.ds(abase + (RA // KM) * KM, rem)]
            )
        plsc.subcore_barrier()

        ebase = s * PT
        dump = jnp.full((LANES,), N_acc - 16, jnp.int32) + lax.iota(jnp.int32, 16)

        def wait_sem(sem, p):
            pltpu.make_async_copy(g_hbm.at[pl.ds(0, KM)], rows[p], sem).wait()

        def wait_idx(x):
            pltpu.make_async_copy(row_hbm.at[pl.ds(0, KM)], ridx[x], isem[x]).wait()
            pltpu.make_async_copy(col_hbm.at[pl.ds(0, KM)], cidx[x], isem[x]).wait()

        def transform(x):
            for t in range(KM // LANES):
                sl = pl.ds(t * LANES, LANES)
                rv = ridx[x][sl] - lo
                cv = cidx[x][sl]
                act = (rv >= 0) & (rv < H)
                ridx[x][sl] = jnp.where(act, rv, 0)
                cidx[x][sl] = jnp.where(act, cv, dump)

        for q in range(2):
            pltpu.sync_copy(row_hbm.at[pl.ds(ebase + q * KM, KM)], ridx[q])
            pltpu.sync_copy(col_hbm.at[pl.ds(ebase + q * KM, KM)], cidx[q])
        transform(0)
        pltpu.async_copy(tab.at[ridx[0]], rows[0], gsem[0])

        def super_chunk(jo, carry):
            j = jo * NBUF
            for qq in range(NBUF):
                jj = j + qq
                p = qq % 2
                x1 = (qq + 1) % NBUF
                x2 = (qq + 2) % NBUF

                wait_sem(gsem[p], p)
                pltpu.async_copy(rows[p], acc.at[cidx[qq]], ssem[p], add=True)

                @pl.when(jj + 1 < n_chunks)
                def _():
                    @pl.when(jj >= 1)
                    def _():
                        wait_sem(ssem[1 - p], 1 - p)
                        wait_idx(x1)

                    transform(x1)
                    pltpu.async_copy(tab.at[ridx[x1]], rows[1 - p], gsem[1 - p])

                @pl.when(jj + 2 < n_chunks)
                def _():
                    base = ebase + (jj + 2) * KM
                    pltpu.async_copy(row_hbm.at[pl.ds(base, KM)], ridx[x2], isem[x2])
                    pltpu.async_copy(col_hbm.at[pl.ds(base, KM)], cidx[x2], isem[x2])

            return carry

        lax.fori_loop(0, n_chunks // NBUF, super_chunk, 0)

        for p in range(2):
            wait_sem(ssem[p], p)
        plsc.subcore_barrier()
        pltpu.sync_copy(
            acc.at[pl.ds(abase, RA)],
            out_hbm.at[pl.ds(c * N_acc + abase, RA)],
        )

    return pl.kernel(
        body,
        out_type=jax.ShapeDtypeStruct((NC * N_acc, C), jnp.float32),
        mesh=_sc_mesh(),
        scratch_types=(
            [pltpu.VMEM((KM, C), jnp.float32) for _ in range(2)]
            + [pltpu.VMEM((KM,), jnp.int32) for _ in range(2 * NBUF)]
            + [
                pltpu.VMEM_SHARED((H, C), jnp.float32),
                pltpu.VMEM_SHARED((N_acc, C), jnp.float32),
            ]
            + [pltpu.SemaphoreType.DMA for _ in range(4 + NBUF)]
        ),
    )


def _dinv_from_hists(hblk):
    deg = jnp.sum(hblk, axis=0)
    return jnp.where(deg > 0, lax.rsqrt(jnp.maximum(deg, 1.0)), 0.0)


def _matmul(x, W, BLK=1024):
    N, C = x.shape

    def body(x_ref, w_ref, h_ref):
        h_ref[...] = lax.dot_general(
            x_ref[...], w_ref[...], (((1,), (1,)), ((), ())),
            preferred_element_type=jnp.float32,
        )

    return pl.pallas_call(
        body,
        grid=(N // BLK,),
        in_specs=[
            pl.BlockSpec((BLK, C), lambda i: (i, 0)),
            pl.BlockSpec((C, C), lambda i: (0, 0)),
        ],
        out_specs=pl.BlockSpec((BLK, C), lambda i: (i, 0)),
        out_shape=jax.ShapeDtypeStruct((N, C), jnp.float32),
    )(x, W)


def _scale(h, hists, BLK=1024):
    N, C = h.shape

    def body(h_ref, d_ref, g_ref):
        dinv = _dinv_from_hists(d_ref[...])
        g_ref[...] = h_ref[...] * dinv[:, None]

    return pl.pallas_call(
        body,
        grid=(N // BLK,),
        in_specs=[
            pl.BlockSpec((BLK, C), lambda i: (i, 0)),
            pl.BlockSpec((NW, BLK), lambda i: (0, i)),
        ],
        out_specs=pl.BlockSpec((BLK, C), lambda i: (i, 0)),
        out_shape=jax.ShapeDtypeStruct((N, C), jnp.float32),
    )(h, hists)


def _pool_loss(parts, hists, batch3, y2, b2, B, BLK=1024):
    _, _, C = parts.shape
    nblk = batch3.shape[0]

    def body(p0, p1, h_ref, bt, y_ref, b_ref, pooled_ref, loss_ref, pacc, cacc):
        i = pl.program_id(0)

        @pl.when(i == 0)
        def _():
            pacc[...] = jnp.zeros_like(pacc)
            cacc[...] = jnp.zeros_like(cacc)

        dinv = _dinv_from_hists(h_ref[...])
        outb = jnp.maximum(
            (p0[0] + p1[0]) * dinv[:, None] + b_ref[...], 0.0
        )
        bt_v = bt[0, 0, :]
        onehot = (
            bt_v[None, :] == lax.broadcasted_iota(jnp.int32, (B, BLK), 0)
        ).astype(jnp.float32)
        pacc[...] += lax.dot_general(
            onehot, outb, (((1,), (0,)), ((), ())),
            preferred_element_type=jnp.float32,
        )
        cacc[...] += jnp.sum(onehot, axis=1, keepdims=True)

        @pl.when(i == nblk - 1)
        def _():
            pooled = pacc[...] / jnp.maximum(cacc[...], 1.0)
            pooled_ref[...] = pooled
            m = jnp.max(pooled, axis=1, keepdims=True)
            lse = m + jnp.log(jnp.sum(jnp.exp(pooled - m), axis=1, keepdims=True))
            logp = pooled - lse
            oy = (
                lax.broadcasted_iota(jnp.int32, (B, C), 1) == y_ref[0][:, None]
            ).astype(jnp.float32)
            nll = -jnp.sum(logp * oy, axis=1, keepdims=True)
            loss_ref[...] = jnp.mean(nll).reshape(1, 1)

    return pl.pallas_call(
        body,
        grid=(nblk,),
        in_specs=[
            pl.BlockSpec((1, BLK, C), lambda i: (0, i, 0)),
            pl.BlockSpec((1, BLK, C), lambda i: (1, i, 0)),
            pl.BlockSpec((NW, BLK), lambda i: (0, i)),
            pl.BlockSpec((1, 1, BLK), lambda i: (i, 0, 0)),
            pl.BlockSpec((1, B), lambda i: (0, 0)),
            pl.BlockSpec((1, C), lambda i: (0, 0)),
        ],
        out_specs=[
            pl.BlockSpec((B, C), lambda i: (0, 0)),
            pl.BlockSpec((1, 1), lambda i: (0, 0)),
        ],
        out_shape=[
            jax.ShapeDtypeStruct((B, C), jnp.float32),
            jax.ShapeDtypeStruct((1, 1), jnp.float32),
        ],
        scratch_shapes=[
            pltpu.VMEM((B, C), jnp.float32),
            pltpu.VMEM((B, 1), jnp.float32),
        ],
    )(parts, parts, hists, batch3, y2, b2)


def kernel(x, edge_index, y, batch, W, b):
    N, C = x.shape
    E = edge_index.shape[1]
    B = y.shape[0]

    row = edge_index[0].astype(jnp.int32)
    col = edge_index[1].astype(jnp.int32)

    E_pad = -(-E // (NW * K)) * (NW * K)
    N_tab = -(-(N + 1) // (NS * K)) * (NS * K)
    N_acc = 10112

    pad = E_pad - E
    row_p = jnp.concatenate([row, jnp.zeros((pad,), jnp.int32)])
    col_p = jnp.concatenate([col, jnp.full((pad,), N, jnp.int32)])

    x_p = jnp.concatenate([x, jnp.zeros((N_tab - N, C), x.dtype)])
    h = _matmul(x_p, W)
    hists = _make_deg_fn(E_pad, N_tab)(col_p).reshape(NW, N_tab)
    g = _scale(h, hists)
    parts = _make_scatter_fn(E_pad, N_tab, N_acc, C)(g, row_p, col_p)
    parts = parts.reshape(NC, N_acc, C)

    BLK = N_acc
    batch_p = jnp.concatenate(
        [batch.astype(jnp.int32), jnp.full((N_acc - N,), B, jnp.int32)]
    )
    batch3 = batch_p.reshape(N_acc // BLK, 1, BLK)
    y2 = y.astype(jnp.int32).reshape(1, B)
    pooled, loss11 = _pool_loss(parts, hists, batch3, y2, b.reshape(1, C), B, BLK)
    return pooled, loss11[0, 0]

# --- scband reference (transcript-rebuilt; emitter-appended) ---
"""Pipeline reference for scband-gcn-for-ipu-6605659702068 (READ-ONLY COPY).

The authoritative reference and input builder live on the scoring server;
editing this copy changes nothing except your own understanding.
"""

import jax, jax.numpy as jnp
import numpy as np

N_NODES = 10000
N_EDGES = 320000
IN_CH = 128
OUT_CH = 128
BATCH_SIZE = 16


def setup_inputs(seed: int = 0) -> dict:
    key = jax.random.key(seed)
    k1, k2, k3, k4, k5, k6 = jax.random.split(key, 6)
    x = jax.random.normal(k1, (N_NODES, IN_CH), dtype=jnp.float32)
    edge_index = jax.random.randint(k2, (2, N_EDGES), 0, N_NODES, dtype=jnp.int64)
    y = jax.random.randint(k3, (BATCH_SIZE,), 0, OUT_CH, dtype=jnp.int64)
    batch = jnp.sort(jax.random.randint(k4, (N_NODES,), 0, BATCH_SIZE, dtype=jnp.int64))
    # GCNConv params: lin weight [out, in] (no lin bias), separate bias [out]
    limit = 1.0 / np.sqrt(IN_CH)
    W = jax.random.uniform(k5, (OUT_CH, IN_CH), dtype=jnp.float32, minval=-limit, maxval=limit)
    b = jnp.zeros((OUT_CH,), dtype=jnp.float32)
    return {"x": x, "edge_index": edge_index, "y": y, "batch": batch, "W": W, "b": b}


def reference(x, edge_index, y, batch, W, b):
    N = x.shape[0]
    row = edge_index[0]
    col = edge_index[1]
    # GCN normalization (add_self_loops=False): deg over dst (col)
    ones_e = jnp.ones((edge_index.shape[1],), dtype=x.dtype)
    deg = jax.ops.segment_sum(ones_e, col, num_segments=N)
    deg_inv_sqrt = jnp.where(deg > 0, jax.lax.rsqrt(jnp.where(deg > 0, deg, 1.0)), 0.0)
    norm = deg_inv_sqrt[row] * deg_inv_sqrt[col]
    # linear transform then message passing (scatter-add to dst)
    h = x @ W.T
    msgs = h[row] * norm[:, None]
    out = jax.ops.segment_sum(msgs, col, num_segments=N) + b
    out = jax.nn.relu(out)
    # global_mean_pool with fixed size=BATCH_SIZE
    pooled_sum = jax.ops.segment_sum(out, batch, num_segments=BATCH_SIZE)
    counts = jax.ops.segment_sum(jnp.ones((N,), dtype=x.dtype), batch, num_segments=BATCH_SIZE)
    pooled = pooled_sum / jnp.clip(counts, 1.0, None)[:, None]
    # training branch: cross entropy loss (mean reduction)
    logits = pooled
    logp = logits - jax.scipy.special.logsumexp(logits, axis=1, keepdims=True)
    nll = -jnp.take_along_axis(logp, y[:, None], axis=1)[:, 0]
    loss = jnp.mean(nll)
    return (pooled, loss)

if __name__ == "__main__":
    import jax
    _d = setup_inputs()
    print(jax.jit(kernel)(*tuple(_d.values())))

</pallas_src>

<mosaic_0001>
#map = affine_map<(d0, d1) -> (0)>
module attributes {stable_mosaic.version = 14 : i64} {
  func.func @body(%arg0: i32, %arg1: i32, %arg2: memref<323584xi32, #tpu.memory_space<hbm>>, %arg3: memref<327680xf32, #tpu.memory_space<hbm>>, %arg4: memref<10240xf32, #tpu.memory_space<vmem>>, %arg5: memref<10112xi32, #tpu.memory_space<vmem>>, %arg6: memref<!tpu.dma_semaphore, #tpu.memory_space<semaphore_mem>>) attributes {dimension_semantics = [#tpu.dimension_semantics<core_parallel>, #tpu.dimension_semantics<subcore_parallel>], iteration_bounds = array<i64: 2, 16>, scalar_prefetch = 0 : i64, scratch_operands = 3 : i64, tpu.core_type = #tpu.core_type<sc_vector_subcore>, window_params = [{transform_indices = #map}, {transform_indices = #map}]} {
    %mul3A = arith.constant 16 : i32
    %mul3A_0 = arith.muli %arg0, %mul3A : i32
    %add3A = arith.addi %mul3A_0, %arg1 : i32
    %mul3A_1 = arith.constant 10112 : i32
    %mul3A_2 = arith.muli %add3A, %mul3A_1 : i32
    %dma_start3A = tpu.memref_slice %arg2[%mul3A_2] : memref<323584xi32, #tpu.memory_space<hbm>> -> memref<10112xi32, #tpu.memory_space<hbm>>
    %dma_start3A_3 = tpu.memref_slice %arg2[%mul3A_2] : memref<323584xi32, #tpu.memory_space<hbm>> -> memref<10112xi32, #tpu.memory_space<hbm>>
    tpu.enqueue_dma source(%dma_start3A_3 : memref<10112xi32, #tpu.memory_space<hbm>>) target(%arg5 : memref<10112xi32, #tpu.memory_space<vmem>>) target_semaphore(%arg6 : memref<!tpu.dma_semaphore, #tpu.memory_space<semaphore_mem>>)
    %scan3A = arith.constant 0 : i32
    %scan3A_4 = arith.constant 0 : i32
    %scan3A_5 = arith.constant 640 : i32
    %scan3A_6 = arith.addi %scan3A_4, %scan3A_5 : i32
    %scan3A_7 = arith.constant 1 : i32
    scf.for %scan3A_21 = %scan3A_4 to %scan3A_6 step %scan3A_7  : i32 {
      %broadcast_in_dim3A_22 = arith.constant 0.000000e+00 : f32
      %broadcast_in_dim3A_23 = vector.broadcast %broadcast_in_dim3A_22 : f32 to vector<16xf32>
      %mul3A_24 = arith.constant 16 : i32
      %mul3A_25 = arith.muli %scan3A_21, %mul3A_24 : i32
      %swap3A = arith.index_cast %mul3A_25 : i32 to index
      %swap3A_26 = tpu.vector_load %arg4[%swap3A] {strides = array<i32>} : memref<10240xf32, #tpu.memory_space<vmem>>, vector<16xf32>,
      tpu.vector_store %arg4[%swap3A], %broadcast_in_dim3A_23 {strides = array<i32>} : memref<10240xf32, #tpu.memory_space<vmem>>, vector<16xf32>,
    }
    %scan3A_8 = arith.constant 640 : i32
    %dma_wait3A = arith.constant 0 : i32
    %dma_wait3A_9 = tpu.memref_slice %arg2[%dma_wait3A] : memref<323584xi32, #tpu.memory_space<hbm>> -> memref<10112xi32, #tpu.memory_space<hbm>>
    %dma_wait3A_10 = arith.constant 0 : i32
    %dma_wait3A_11 = tpu.memref_slice %arg2[%dma_wait3A_10] : memref<323584xi32, #tpu.memory_space<hbm>> -> memref<10112xi32, #tpu.memory_space<hbm>>
    tpu.wait_dma2 semaphore(%arg6 : memref<!tpu.dma_semaphore, #tpu.memory_space<semaphore_mem>>) src(%dma_wait3A_11 : memref<10112xi32, #tpu.memory_space<hbm>>) dst(%arg5 : memref<10112xi32, #tpu.memory_space<vmem>>)
    %broadcast_in_dim3A = arith.constant 1.000000e+00 : f32
    %broadcast_in_dim3A_12 = vector.broadcast %broadcast_in_dim3A : f32 to vector<16xf32>
    %scan3A_13 = arith.constant 0 : i32
    %scan3A_14 = arith.constant 0 : i32
    %scan3A_15 = arith.constant 79 : i32
    %scan3A_16 = arith.addi %scan3A_14, %scan3A_15 : i32
    %scan3A_17 = arith.constant 1 : i32
    scf.for %scan3A_21 = %scan3A_14 to %scan3A_16 step %scan3A_17  : i32 {
      %mul3A_22 = arith.constant 128 : i32
      %mul3A_23 = arith.muli %scan3A_21, %mul3A_22 : i32
      %add3A_24 = arith.constant 0 : i32
      %add3A_25 = arith.addi %mul3A_23, %add3A_24 : i32
      %get3A = arith.index_cast %add3A_25 : i32 to index
      %get3A_26 = tpu.vector_load %arg5[%get3A] {strides = array<i32>} : memref<10112xi32, #tpu.memory_space<vmem>>, vector<16xi32>,
      tpu.vector_store_idx %arg4[%get3A_26], %broadcast_in_dim3A_12 {add = true} : memref<10240xf32, #tpu.memory_space<vmem>>[vector<16xi32>], vector<16xf32>,
      %mul3A_27 = arith.constant 128 : i32
      %mul3A_28 = arith.muli %scan3A_21, %mul3A_27 : i32
      %add3A_29 = arith.constant 16 : i32
      %add3A_30 = arith.addi %mul3A_28, %add3A_29 : i32
      %get3A_31 = arith.index_cast %add3A_30 : i32 to index
      %get3A_32 = tpu.vector_load %arg5[%get3A_31] {strides = array<i32>} : memref<10112xi32, #tpu.memory_space<vmem>>, vector<16xi32>,
      tpu.vector_store_idx %arg4[%get3A_32], %broadcast_in_dim3A_12 {add = true} : memref<10240xf32, #tpu.memory_space<vmem>>[vector<16xi32>], vector<16xf32>,
      %mul3A_33 = arith.constant 128 : i32
      %mul3A_34 = arith.muli %scan3A_21, %mul3A_33 : i32
      %add3A_35 = arith.constant 32 : i32
      %add3A_36 = arith.addi %mul3A_34, %add3A_35 : i32
      %get3A_37 = arith.index_cast %add3A_36 : i32 to index
      %get3A_38 = tpu.vector_load %arg5[%get3A_37] {strides = array<i32>} : memref<10112xi32, #tpu.memory_space<vmem>>, vector<16xi32>,
      tpu.vector_store_idx %arg4[%get3A_38], %broadcast_in_dim3A_12 {add = true} : memref<10240xf32, #tpu.memory_space<vmem>>[vector<16xi32>], vector<16xf32>,
      %mul3A_39 = arith.constant 128 : i32
      %mul3A_40 = arith.muli %scan3A_21, %mul3A_39 : i32
      %add3A_41 = arith.constant 48 : i32
      %add3A_42 = arith.addi %mul3A_40, %add3A_41 : i32
      %get3A_43 = arith.index_cast %add3A_42 : i32 to index
      %get3A_44 = tpu.vector_load %arg5[%get3A_43] {strides = array<i32>} : memref<10112xi32, #tpu.memory_space<vmem>>, vector<16xi32>,
      tpu.vector_store_idx %arg4[%get3A_44], %broadcast_in_dim3A_12 {add = true} : memref<10240xf32, #tpu.memory_space<vmem>>[vector<16xi32>], vector<16xf32>,
      %mul3A_45 = arith.constant 128 : i32
      %mul3A_46 = arith.muli %scan3A_21, %mul3A_45 : i32
      %add3A_47 = arith.constant 64 : i32
      %add3A_48 = arith.addi %mul3A_46, %add3A_47 : i32
      %get3A_49 = arith.index_cast %add3A_48 : i32 to index
      %get3A_50 = tpu.vector_load %arg5[%get3A_49] {strides = array<i32>} : memref<10112xi32, #tpu.memory_space<vmem>>, vector<16xi32>,
      tpu.vector_store_idx %arg4[%get3A_50], %broadcast_in_dim3A_12 {add = true} : memref<10240xf32, #tpu.memory_space<vmem>>[vector<16xi32>], vector<16xf32>,
      %mul3A_51 = arith.constant 128 : i32
      %mul3A_52 = arith.muli %scan3A_21, %mul3A_51 : i32
      %add3A_53 = arith.constant 80 : i32
      %add3A_54 = arith.addi %mul3A_52, %add3A_53 : i32
      %get3A_55 = arith.index_cast %add3A_54 : i32 to index
      %get3A_56 = tpu.vector_load %arg5[%get3A_55] {strides = array<i32>} : memref<10112xi32, #tpu.memory_space<vmem>>, vector<16xi32>,
      tpu.vector_store_idx %arg4[%get3A_56], %broadcast_in_dim3A_12 {add = true} : memref<10240xf32, #tpu.memory_space<vmem>>[vector<16xi32>], vector<16xf32>,
      %mul3A_57 = arith.constant 128 : i32
      %mul3A_58 = arith.muli %scan3A_21, %mul3A_57 : i32
      %add3A_59 = arith.constant 96 : i32
      %add3A_60 = arith.addi %mul3A_58, %add3A_59 : i32
      %get3A_61 = arith.index_cast %add3A_60 : i32 to index
      %get3A_62 = tpu.vector_load %arg5[%get3A_61] {strides = array<i32>} : memref<10112xi32, #tpu.memory_space<vmem>>, vector<16xi32>,
      tpu.vector_store_idx %arg4[%get3A_62], %broadcast_in_dim3A_12 {add = true} : memref<10240xf32, #tpu.memory_space<vmem>>[vector<16xi32>], vector<16xf32>,
      %mul3A_63 = arith.constant 128 : i32
      %mul3A_64 = arith.muli %scan3A_21, %mul3A_63 : i32
      %add3A_65 = arith.constant 112 : i32
      %add3A_66 = arith.addi %mul3A_64, %add3A_65 : i32
      %get3A_67 = arith.index_cast %add3A_66 : i32 to index
      %get3A_68 = tpu.vector_load %arg5[%get3A_67] {strides = array<i32>} : memref<10112xi32, #tpu.memory_space<vmem>>, vector<16xi32>,
      tpu.vector_store_idx %arg4[%get3A_68], %broadcast_in_dim3A_12 {add = true} : memref<10240xf32, #tpu.memory_space<vmem>>[vector<16xi32>], vector<16xf32>,
    }
    %scan3A_18 = arith.constant 79 : i32
    %mul3A_19 = arith.constant 10240 : i32
    %mul3A_20 = arith.muli %add3A, %mul3A_19 : i32
    "tpu.region"() ({
      %run_scoped3A = tpu.sem_alloc : memref<!tpu.dma_semaphore, #tpu.memory_space<semaphore_mem>>
      %dma_start3A_21 = tpu.memref_slice %arg3[%mul3A_20] : memref<327680xf32, #tpu.memory_space<hbm>> -> memref<10240xf32, #tpu.memory_space<hbm>>
      %dma_start3A_22 = tpu.memref_slice %arg3[%mul3A_20] : memref<327680xf32, #tpu.memory_space<hbm>> -> memref<10240xf32, #tpu.memory_space<hbm>>
      tpu.enqueue_dma source(%arg4 : memref<10240xf32, #tpu.memory_space<vmem>>) target(%dma_start3A_22 : memref<10240xf32, #tpu.memory_space<hbm>>) target_semaphore(%run_scoped3A : memref<!tpu.dma_semaphore, #tpu.memory_space<semaphore_mem>>)
      %dma_wait3A_23 = tpu.memref_slice %arg3[%mul3A_20] : memref<327680xf32, #tpu.memory_space<hbm>> -> memref<10240xf32, #tpu.memory_space<hbm>>
      %dma_wait3A_24 = tpu.memref_slice %arg3[%mul3A_20] : memref<327680xf32, #tpu.memory_space<hbm>> -> memref<10240xf32, #tpu.memory_space<hbm>>
      tpu.wait_dma2 semaphore(%run_scoped3A : memref<!tpu.dma_semaphore, #tpu.memory_space<semaphore_mem>>) src(%arg4 : memref<10240xf32, #tpu.memory_space<vmem>>) dst(%dma_wait3A_24 : memref<10240xf32, #tpu.memory_space<hbm>>)
      tpu.yield
    }) : () -> ()
    return
  }
}

#map = affine_map<(d0, d1) -> (0, 0)>
#map1 = affine_map<(d0, d1) -> (0)>
module attributes {stable_mosaic.version = 14 : i64} {
  func.func @body(%arg0: i32, %arg1: i32, %arg2: memref<10240x128xf32, #tpu.memory_space<hbm>>, %arg3: memref<323584xi32, #tpu.memory_space<hbm>>, %arg4: memref<323584xi32, #tpu.memory_space<hbm>>, %arg5: memref<20224x128xf32, #tpu.memory_space<hbm>>, %arg6: memref<32x128xf32, #tpu.memory_space<vmem>>, %arg7: memref<32x128xf32, #tpu.memory_space<vmem>>, %arg8: memref<32xi32, #tpu.memory_space<vmem>>, %arg9: memref<32xi32, #tpu.memory_space<vmem>>, %arg10: memref<32xi32, #tpu.memory_space<vmem>>, %arg11: memref<32xi32, #tpu.memory_space<vmem>>, %arg12: memref<32xi32, #tpu.memory_space<vmem>>, %arg13: memref<32xi32, #tpu.memory_space<vmem>>, %arg14: memref<32xi32, #tpu.memory_space<vmem>>, %arg15: memref<32xi32, #tpu.memory_space<vmem>>, %arg16: memref<5120x128xf32, #tpu.memory_space<vmem_shared>>, %arg17: memref<10112x128xf32, #tpu.memory_space<vmem_shared>>, %arg18: memref<!tpu.dma_semaphore, #tpu.memory_space<semaphore_mem>>, %arg19: memref<!tpu.dma_semaphore, #tpu.memory_space<semaphore_mem>>, %arg20: memref<!tpu.dma_semaphore, #tpu.memory_space<semaphore_mem>>, %arg21: memref<!tpu.dma_semaphore, #tpu.memory_space<semaphore_mem>>, %arg22: memref<!tpu.dma_semaphore, #tpu.memory_space<semaphore_mem>>, %arg23: memref<!tpu.dma_semaphore, #tpu.memory_space<semaphore_mem>>, %arg24: memref<!tpu.dma_semaphore, #tpu.memory_space<semaphore_mem>>, %arg25: memref<!tpu.dma_semaphore, #tpu.memory_space<semaphore_mem>>) attributes {dimension_semantics = [#tpu.dimension_semantics<core_parallel>, #tpu.dimension_semantics<subcore_parallel>], iteration_bounds = array<i64: 2, 16>, scalar_prefetch = 0 : i64, scratch_operands = 20 : i64, tpu.core_type = #tpu.core_type<sc_vector_subcore>, window_params = [{transform_indices = #map}, {transform_indices = #map1}, {transform_indices = #map1}, {transform_indices = #map}]} {
    %mul3A = arith.constant 5120 : i32
    %mul3A_0 = arith.muli %arg0, %mul3A : i32
    %mul3A_1 = arith.constant 320 : i32
    %mul3A_2 = arith.muli %arg1, %mul3A_1 : i32
    %add3A = arith.addi %mul3A_0, %mul3A_2 : i32
    %mul3A_3 = arith.constant 320 : i32
    %mul3A_4 = arith.muli %arg1, %mul3A_3 : i32
    "tpu.region"() ({
      %run_scoped3A = tpu.sem_alloc : memref<!tpu.dma_semaphore, #tpu.memory_space<semaphore_mem>>
      %dma_start3A_133 = arith.constant 0 : i32
      %dma_start3A_134 = tpu.memref_slice %arg16[%mul3A_4, %dma_start3A_133] : memref<5120x128xf32, #tpu.memory_space<vmem_shared>> -> memref<320x128xf32, #tpu.memory_space<vmem_shared>>
      %dma_start3A_135 = arith.constant 0 : i32
      %dma_start3A_136 = tpu.memref_slice %arg2[%add3A, %dma_start3A_135] : memref<10240x128xf32, #tpu.memory_space<hbm>> -> memref<320x128xf32, #tpu.memory_space<hbm>>
      tpu.enqueue_dma source(%dma_start3A_136 : memref<320x128xf32, #tpu.memory_space<hbm>>) target(%dma_start3A_134 : memref<320x128xf32, #tpu.memory_space<vmem_shared>>) target_semaphore(%run_scoped3A : memref<!tpu.dma_semaphore, #tpu.memory_space<semaphore_mem>>)
      %dma_wait3A_137 = arith.constant 0 : i32
      %dma_wait3A_138 = tpu.memref_slice %arg16[%mul3A_4, %dma_wait3A_137] : memref<5120x128xf32, #tpu.memory_space<vmem_shared>> -> memref<320x128xf32, #tpu.memory_space<vmem_shared>>
      %dma_wait3A_139 = arith.constant 0 : i32
      %dma_wait3A_140 = tpu.memref_slice %arg2[%add3A, %dma_wait3A_139] : memref<10240x128xf32, #tpu.memory_space<hbm>> -> memref<320x128xf32, #tpu.memory_space<hbm>>
      tpu.wait_dma2 semaphore(%run_scoped3A : memref<!tpu.dma_semaphore, #tpu.memory_space<semaphore_mem>>) src(%dma_wait3A_140 : memref<320x128xf32, #tpu.memory_space<hbm>>) dst(%dma_wait3A_138 : memref<320x128xf32, #tpu.memory_space<vmem_shared>>)
      tpu.yield
    }) : () -> ()
    %scan3A = arith.constant 0 : i32
    %scan3A_5 = arith.constant 0 : i32
    %scan3A_6 = arith.constant 32 : i32
    %scan3A_7 = arith.addi %scan3A_5, %scan3A_6 : i32
    %scan3A_8 = arith.constant 1 : i32
    scf.for %scan3A_133 = %scan3A_5 to %scan3A_7 step %scan3A_8  : i32 {
      %broadcast_in_dim3A_134 = arith.constant 0.000000e+00 : f32
      %broadcast_in_dim3A_135 = vector.broadcast %broadcast_in_dim3A_134 : f32 to vector<16xf32>
      %swap3A_136 = arith.index_cast %scan3A_133 : i32 to index
      %swap3A_137 = arith.constant 0 : index
      %swap3A_138 = tpu.vector_load %arg6[%swap3A_136, %swap3A_137] {strides = array<i32>} : memref<32x128xf32, #tpu.memory_space<vmem>>, vector<1x16xf32>,
      %swap3A_139 = vector.shape_cast %swap3A_138 : vector<1x16xf32> to vector<16xf32>
      %swap3A_140 = vector.shape_cast %broadcast_in_dim3A_135 : vector<16xf32> to vector<1x16xf32>
      tpu.vector_store %arg6[%swap3A_136, %swap3A_137], %swap3A_140 {strides = array<i32>} : memref<32x128xf32, #tpu.memory_space<vmem>>, vector<1x16xf32>,
      %broadcast_in_dim3A_141 = arith.constant 0.000000e+00 : f32
      %broadcast_in_dim3A_142 = vector.broadcast %broadcast_in_dim3A_141 : f32 to vector<16xf32>
      %swap3A_143 = arith.index_cast %scan3A_133 : i32 to index
      %swap3A_144 = arith.constant 16 : index
      %swap3A_145 = tpu.vector_load %arg6[%swap3A_143, %swap3A_144] {strides = array<i32>} : memref<32x128xf32, #tpu.memory_space<vmem>>, vector<1x16xf32>,
      %swap3A_146 = vector.shape_cast %swap3A_145 : vector<1x16xf32> to vector<16xf32>
      %swap3A_147 = vector.shape_cast %broadcast_in_dim3A_142 : vector<16xf32> to vector<1x16xf32>
      tpu.vector_store %arg6[%swap3A_143, %swap3A_144], %swap3A_147 {strides = array<i32>} : memref<32x128xf32, #tpu.memory_space<vmem>>, vector<1x16xf32>,
      %broadcast_in_dim3A_148 = arith.constant 0.000000e+00 : f32
      %broadcast_in_dim3A_149 = vector.broadcast %broadcast_in_dim3A_148 : f32 to vector<16xf32>
      %swap3A_150 = arith.index_cast %scan3A_133 : i32 to index
      %swap3A_151 = arith.constant 32 : index
      %swap3A_152 = tpu.vector_load %arg6[%swap3A_150, %swap3A_151] {strides = array<i32>} : memref<32x128xf32, #tpu.memory_space<vmem>>, vector<1x16xf32>,
      %swap3A_153 = vector.shape_cast %swap3A_152 : vector<1x16xf32> to vector<16xf32>
      %swap3A_154 = vector.shape_cast %broadcast_in_dim3A_149 : vector<16xf32> to vector<1x16xf32>
      tpu.vector_store %arg6[%swap3A_150, %swap3A_151], %swap3A_154 {strides = array<i32>} : memref<32x128xf32, #tpu.memory_space<vmem>>, vector<1x16xf32>,
      %broadcast_in_dim3A_155 = arith.constant 0.000000e+00 : f32
      %broadcast_in_dim3A_156 = vector.broadcast %broadcast_in_dim3A_155 : f32 to vector<16xf32>
      %swap3A_157 = arith.index_cast %scan3A_133 : i32 to index
      %swap3A_158 = arith.constant 48 : index
      %swap3A_159 = tpu.vector_load %arg6[%swap3A_157, %swap3A_158] {strides = array<i32>} : memref<32x128xf32, #tpu.memory_space<vmem>>, vector<1x16xf32>,
      %swap3A_160 = vector.shape_cast %swap3A_159 : vector<1x16xf32> to vector<16xf32>
      %swap3A_161 = vector.shape_cast %broadcast_in_dim3A_156 : vector<16xf32> to vector<1x16xf32>
      tpu.vector_store %arg6[%swap3A_157, %swap3A_158], %swap3A_161 {strides = array<i32>} : memref<32x128xf32, #tpu.memory_space<vmem>>, vector<1x16xf32>,
      %broadcast_in_dim3A_162 = arith.constant 0.000000e+00 : f32
      %broadcast_in_dim3A_163 = vector.broadcast %broadcast_in_dim3A_162 : f32 to vector<16xf32>
      %swap3A_164 = arith.index_cast %scan3A_133 : i32 to index
      %swap3A_165 = arith.constant 64 : index
      %swap3A_166 = tpu.vector_load %arg6[%swap3A_164, %swap3A_165] {strides = array<i32>} : memref<32x128xf32, #tpu.memory_space<vmem>>, vector<1x16xf32>,
      %swap3A_167 = vector.shape_cast %swap3A_166 : vector<1x16xf32> to vector<16xf32>
      %swap3A_168 = vector.shape_cast %broadcast_in_dim3A_163 : vector<16xf32> to vector<1x16xf32>
      tpu.vector_store %arg6[%swap3A_164, %swap3A_165], %swap3A_168 {strides = array<i32>} : memref<32x128xf32, #tpu.memory_space<vmem>>, vector<1x16xf32>,
      %broadcast_in_dim3A_169 = arith.constant 0.000000e+00 : f32
      %broadcast_in_dim3A_170 = vector.broadcast %broadcast_in_dim3A_169 : f32 to vector<16xf32>
      %swap3A_171 = arith.index_cast %scan3A_133 : i32 to index
      %swap3A_172 = arith.constant 80 : index
      %swap3A_173 = tpu.vector_load %arg6[%swap3A_171, %swap3A_172] {strides = array<i32>} : memref<32x128xf32, #tpu.memory_space<vmem>>, vector<1x16xf32>,
      %swap3A_174 = vector.shape_cast %swap3A_173 : vector<1x16xf32> to vector<16xf32>
      %swap3A_175 = vector.shape_cast %broadcast_in_dim3A_170 : vector<16xf32> to vector<1x16xf32>
      tpu.vector_store %arg6[%swap3A_171, %swap3A_172], %swap3A_175 {strides = array<i32>} : memref<32x128xf32, #tpu.memory_space<vmem>>, vector<1x16xf32>,
      %broadcast_in_dim3A_176 = arith.constant 0.000000e+00 : f32
      %broadcast_in_dim3A_177 = vector.broadcast %broadcast_in_dim3A_176 : f32 to vector<16xf32>
      %swap3A_178 = arith.index_cast %scan3A_133 : i32 to index
      %swap3A_179 = arith.constant 96 : index
      %swap3A_180 = tpu.vector_load %arg6[%swap3A_178, %swap3A_179] {strides = array<i32>} : memref<32x128xf32, #tpu.memory_space<vmem>>, vector<1x16xf32>,
      %swap3A_181 = vector.shape_cast %swap3A_180 : vector<1x16xf32> to vector<16xf32>
      %swap3A_182 = vector.shape_cast %broadcast_in_dim3A_177 : vector<16xf32> to vector<1x16xf32>
      tpu.vector_store %arg6[%swap3A_178, %swap3A_179], %swap3A_182 {strides = array<i32>} : memref<32x128xf32, #tpu.memory_space<vmem>>, vector<1x16xf32>,
      %broadcast_in_dim3A_183 = arith.constant 0.000000e+00 : f32
      %broadcast_in_dim3A_184 = vector.broadcast %broadcast_in_dim3A_183 : f32 to vector<16xf32>
      %swap3A_185 = arith.index_cast %scan3A_133 : i32 to index
      %swap3A_186 = arith.constant 112 : index
      %swap3A_187 = tpu.vector_load %arg6[%swap3A_185, %swap3A_186] {strides = array<i32>} : memref<32x128xf32, #tpu.memory_space<vmem>>, vector<1x16xf32>,
      %swap3A_188 = vector.shape_cast %swap3A_187 : vector<1x16xf32> to vector<16xf32>
      %swap3A_189 = vector.shape_cast %broadcast_in_dim3A_184 : vector<16xf32> to vector<1x16xf32>
      tpu.vector_store %arg6[%swap3A_185, %swap3A_186], %swap3A_189 {strides = array<i32>} : memref<32x128xf32, #tpu.memory_space<vmem>>, vector<1x16xf32>,
    }
    %scan3A_9 = arith.constant 32 : i32
    %mul3A_10 = arith.constant 632 : i32
    %mul3A_11 = arith.muli %arg1, %mul3A_10 : i32
    %add3A_12 = arith.constant 0 : i32
    %add3A_13 = arith.addi %mul3A_11, %add3A_12 : i32
    "tpu.region"() ({
      %run_scoped3A = tpu.sem_alloc : memref<!tpu.dma_semaphore, #tpu.memory_space<semaphore_mem>>
      %dma_start3A_133 = arith.constant 0 : i32
      %dma_start3A_134 = tpu.memref_slice %arg17[%add3A_13, %dma_start3A_133] : memref<10112x128xf32, #tpu.memory_space<vmem_shared>> -> memref<32x128xf32, #tpu.memory_space<vmem_shared>>
      %dma_start3A_135 = arith.constant 0 : i32
      %dma_start3A_136 = tpu.memref_slice %arg17[%add3A_13, %dma_start3A_135] : memref<10112x128xf32, #tpu.memory_space<vmem_shared>> -> memref<32x128xf32, #tpu.memory_space<vmem_shared>>
      tpu.enqueue_dma source(%arg6 : memref<32x128xf32, #tpu.memory_space<vmem>>) target(%dma_start3A_136 : memref<32x128xf32, #tpu.memory_space<vmem_shared>>) target_semaphore(%run_scoped3A : memref<!tpu.dma_semaphore, #tpu.memory_space<semaphore_mem>>)
      %dma_wait3A_137 = arith.constant 0 : i32
      %dma_wait3A_138 = tpu.memref_slice %arg17[%add3A_13, %dma_wait3A_137] : memref<10112x128xf32, #tpu.memory_space<vmem_shared>> -> memref<32x128xf32, #tpu.memory_space<vmem_shared>>
      %dma_wait3A_139 = arith.constant 0 : i32
      %dma_wait3A_140 = tpu.memref_slice %arg17[%add3A_13, %dma_wait3A_139] : memref<10112x128xf32, #tpu.memory_space<vmem_shared>> -> memref<32x128xf32, #tpu.memory_space<vmem_shared>>
      tpu.wait_dma2 semaphore(%run_scoped3A : memref<!tpu.dma_semaphore, #tpu.memory_space<semaphore_mem>>) src(%arg6 : memref<32x128xf32, #tpu.memory_space<vmem>>) dst(%dma_wait3A_140 : memref<32x128xf32, #tpu.memory_space<vmem_shared>>)
      tpu.yield
    }) : () -> ()
    %add3A_14 = arith.constant 32 : i32
    %add3A_15 = arith.addi %mul3A_11, %add3A_14 : i32
    "tpu.region"() ({
      %run_scoped3A = tpu.sem_alloc : memref<!tpu.dma_semaphore, #tpu.memory_space<semaphore_mem>>
      %dma_start3A_133 = arith.constant 0 : i32
      %dma_start3A_134 = tpu.memref_slice %arg17[%add3A_15, %dma_start3A_133] : memref<10112x128xf32, #tpu.memory_space<vmem_shared>> -> memref<32x128xf32, #tpu.memory_space<vmem_shared>>
      %dma_start3A_135 = arith.constant 0 : i32
      %dma_start3A_136 = tpu.memref_slice %arg17[%add3A_15, %dma_start3A_135] : memref<10112x128xf32, #tpu.memory_space<vmem_shared>> -> memref<32x128xf32, #tpu.memory_space<vmem_shared>>
      tpu.enqueue_dma source(%arg6 : memref<32x128xf32, #tpu.memory_space<vmem>>) target(%dma_start3A_136 : memref<32x128xf32, #tpu.memory_space<vmem_shared>>) target_semaphore(%run_scoped3A : memref<!tpu.dma_semaphore, #tpu.memory_space<semaphore_mem>>)
      %dma_wait3A_137 = arith.constant 0 : i32
      %dma_wait3A_138 = tpu.memref_slice %arg17[%add3A_15, %dma_wait3A_137] : memref<10112x128xf32, #tpu.memory_space<vmem_shared>> -> memref<32x128xf32, #tpu.memory_space<vmem_shared>>
      %dma_wait3A_139 = arith.constant 0 : i32
      %dma_wait3A_140 = tpu.memref_slice %arg17[%add3A_15, %dma_wait3A_139] : memref<10112x128xf32, #tpu.memory_space<vmem_shared>> -> memref<32x128xf32, #tpu.memory_space<vmem_shared>>
      tpu.wait_dma2 semaphore(%run_scoped3A : memref<!tpu.dma_semaphore, #tpu.memory_space<semaphore_mem>>) src(%arg6 : memref<32x128xf32, #tpu.memory_space<vmem>>) dst(%dma_wait3A_140 : memref<32x128xf32, #tpu.memory_space<vmem_shared>>)
      tpu.yield
    }) : () -> ()
    %add3A_16 = arith.constant 64 : i32
    %add3A_17 = arith.addi %mul3A_11, %add3A_16 : i32
    "tpu.region"() ({
      %run_scoped3A = tpu.sem_alloc : memref<!tpu.dma_semaphore, #tpu.memory_space<semaphore_mem>>
      %dma_start3A_133 = arith.constant 0 : i32
      %dma_start3A_134 = tpu.memref_slice %arg17[%add3A_17, %dma_start3A_133] : memref<10112x128xf32, #tpu.memory_space<vmem_shared>> -> memref<32x128xf32, #tpu.memory_space<vmem_shared>>
      %dma_start3A_135 = arith.constant 0 : i32
      %dma_start3A_136 = tpu.memref_slice %arg17[%add3A_17, %dma_start3A_135] : memref<10112x128xf32, #tpu.memory_space<vmem_shared>> -> memref<32x128xf32, #tpu.memory_space<vmem_shared>>
      tpu.enqueue_dma source(%arg6 : memref<32x128xf32, #tpu.memory_space<vmem>>) target(%dma_start3A_136 : memref<32x128xf32, #tpu.memory_space<vmem_shared>>) target_semaphore(%run_scoped3A : memref<!tpu.dma_semaphore, #tpu.memory_space<semaphore_mem>>)
      %dma_wait3A_137 = arith.constant 0 : i32
      %dma_wait3A_138 = tpu.memref_slice %arg17[%add3A_17, %dma_wait3A_137] : memref<10112x128xf32, #tpu.memory_space<vmem_shared>> -> memref<32x128xf32, #tpu.memory_space<vmem_shared>>
      %dma_wait3A_139 = arith.constant 0 : i32
      %dma_wait3A_140 = tpu.memref_slice %arg17[%add3A_17, %dma_wait3A_139] : memref<10112x128xf32, #tpu.memory_space<vmem_shared>> -> memref<32x128xf32, #tpu.memory_space<vmem_shared>>
      tpu.wait_dma2 semaphore(%run_scoped3A : memref<!tpu.dma_semaphore, #tpu.memory_space<semaphore_mem>>) src(%arg6 : memref<32x128xf32, #tpu.memory_space<vmem>>) dst(%dma_wait3A_140 : memref<32x128xf32, #tpu.memory_space<vmem_shared>>)
      tpu.yield
    }) : () -> ()
    %add3A_18 = arith.constant 96 : i32
    %add3A_19 = arith.addi %mul3A_11, %add3A_18 : i32
    "tpu.region"() ({
      %run_scoped3A = tpu.sem_alloc : memref<!tpu.dma_semaphore, #tpu.memory_space<semaphore_mem>>
      %dma_start3A_133 = arith.constant 0 : i32
      %dma_start3A_134 = tpu.memref_slice %arg17[%add3A_19, %dma_start3A_133] : memref<10112x128xf32, #tpu.memory_space<vmem_shared>> -> memref<32x128xf32, #tpu.memory_space<vmem_shared>>
      %dma_start3A_135 = arith.constant 0 : i32
      %dma_start3A_136 = tpu.memref_slice %arg17[%add3A_19, %dma_start3A_135] : memref<10112x128xf32, #tpu.memory_space<vmem_shared>> -> memref<32x128xf32, #tpu.memory_space<vmem_shared>>
      tpu.enqueue_dma source(%arg6 : memref<32x128xf32, #tpu.memory_space<vmem>>) target(%dma_start3A_136 : memref<32x128xf32, #tpu.memory_space<vmem_shared>>) target_semaphore(%run_scoped3A : memref<!tpu.dma_semaphore, #tpu.memory_space<semaphore_mem>>)
      %dma_wait3A_137 = arith.constant 0 : i32
      %dma_wait3A_138 = tpu.memref_slice %arg17[%add3A_19, %dma_wait3A_137] : memref<10112x128xf32, #tpu.memory_space<vmem_shared>> -> memref<32x128xf32, #tpu.memory_space<vmem_shared>>
      %dma_wait3A_139 = arith.constant 0 : i32
      %dma_wait3A_140 = tpu.memref_slice %arg17[%add3A_19, %dma_wait3A_139] : memref<10112x128xf32, #tpu.memory_space<vmem_shared>> -> memref<32x128xf32, #tpu.memory_space<vmem_shared>>
      tpu.wait_dma2 semaphore(%run_scoped3A : memref<!tpu.dma_semaphore, #tpu.memory_space<semaphore_mem>>) src(%arg6 : memref<32x128xf32, #tpu.memory_space<vmem>>) dst(%dma_wait3A_140 : memref<32x128xf32, #tpu.memory_space<vmem_shared>>)
      tpu.yield
    }) : () -> ()
    %add3A_20 = arith.constant 128 : i32
    %add3A_21 = arith.addi %mul3A_11, %add3A_20 : i32
    "tpu.region"() ({
      %run_scoped3A = tpu.sem_alloc : memref<!tpu.dma_semaphore, #tpu.memory_space<semaphore_mem>>
      %dma_start3A_133 = arith.constant 0 : i32
      %dma_start3A_134 = tpu.memref_slice %arg17[%add3A_21, %dma_start3A_133] : memref<10112x128xf32, #tpu.memory_space<vmem_shared>> -> memref<32x128xf32, #tpu.memory_space<vmem_shared>>
      %dma_start3A_135 = arith.constant 0 : i32
      %dma_start3A_136 = tpu.memref_slice %arg17[%add3A_21, %dma_start3A_135] : memref<10112x128xf32, #tpu.memory_space<vmem_shared>> -> memref<32x128xf32, #tpu.memory_space<vmem_shared>>
      tpu.enqueue_dma source(%arg6 : memref<32x128xf32, #tpu.memory_space<vmem>>) target(%dma_start3A_136 : memref<32x128xf32, #tpu.memory_space<vmem_shared>>) target_semaphore(%run_scoped3A : memref<!tpu.dma_semaphore, #tpu.memory_space<semaphore_mem>>)
      %dma_wait3A_137 = arith.constant 0 : i32
      %dma_wait3A_138 = tpu.memref_slice %arg17[%add3A_21, %dma_wait3A_137] : memref<10112x128xf32, #tpu.memory_space<vmem_shared>> -> memref<32x128xf32, #tpu.memory_space<vmem_shared>>
      %dma_wait3A_139 = arith.constant 0 : i32
      %dma_wait3A_140 = tpu.memref_slice %arg17[%add3A_21, %dma_wait3A_139] : memref<10112x128xf32, #tpu.memory_space<vmem_shared>> -> memref<32x128xf32, #tpu.memory_space<vmem_shared>>
      tpu.wait_dma2 semaphore(%run_scoped3A : memref<!tpu.dma_semaphore, #tpu.memory_space<semaphore_mem>>) src(%arg6 : memref<32x128xf32, #tpu.memory_space<vmem>>) dst(%dma_wait3A_140 : memref<32x128xf32, #tpu.memory_space<vmem_shared>>)
      tpu.yield
    }) : () -> ()
    %add3A_22 = arith.constant 160 : i32
    %add3A_23 = arith.addi %mul3A_11, %add3A_22 : i32
    "tpu.region"() ({
      %run_scoped3A = tpu.sem_alloc : memref<!tpu.dma_semaphore, #tpu.memory_space<semaphore_mem>>
      %dma_start3A_133 = arith.constant 0 : i32
      %dma_start3A_134 = tpu.memref_slice %arg17[%add3A_23, %dma_start3A_133] : memref<10112x128xf32, #tpu.memory_space<vmem_shared>> -> memref<32x128xf32, #tpu.memory_space<vmem_shared>>
      %dma_start3A_135 = arith.constant 0 : i32
      %dma_start3A_136 = tpu.memref_slice %arg17[%add3A_23, %dma_start3A_135] : memref<10112x128xf32, #tpu.memory_space<vmem_shared>> -> memref<32x128xf32, #tpu.memory_space<vmem_shared>>
      tpu.enqueue_dma source(%arg6 : memref<32x128xf32, #tpu.memory_space<vmem>>) target(%dma_start3A_136 : memref<32x128xf32, #tpu.memory_space<vmem_shared>>) target_semaphore(%run_scoped3A : memref<!tpu.dma_semaphore, #tpu.memory_space<semaphore_mem>>)
      %dma_wait3A_137 = arith.constant 0 : i32
      %dma_wait3A_138 = tpu.memref_slice %arg17[%add3A_23, %dma_wait3A_137] : memref<10112x128xf32, #tpu.memory_space<vmem_shared>> -> memref<32x128xf32, #tpu.memory_space<vmem_shared>>
      %dma_wait3A_139 = arith.constant 0 : i32
      %dma_wait3A_140 = tpu.memref_slice %arg17[%add3A_23, %dma_wait3A_139] : memref<10112x128xf32, #tpu.memory_space<vmem_shared>> -> memref<32x128xf32, #tpu.memory_space<vmem_shared>>
      tpu.wait_dma2 semaphore(%run_scoped3A : memref<!tpu.dma_semaphore, #tpu.memory_space<semaphore_mem>>) src(%arg6 : memref<32x128xf32, #tpu.memory_space<vmem>>) dst(%dma_wait3A_140 : memref<32x128xf32, #tpu.memory_space<vmem_shared>>)
      tpu.yield
    }) : () -> ()
    %add3A_24 = arith.constant 192 : i32
    %add3A_25 = arith.addi %mul3A_11, %add3A_24 : i32
    "tpu.region"() ({
      %run_scoped3A = tpu.sem_alloc : memref<!tpu.dma_semaphore, #tpu.memory_space<semaphore_mem>>
      %dma_start3A_133 = arith.constant 0 : i32
      %dma_start3A_134 = tpu.memref_slice %arg17[%add3A_25, %dma_start3A_133] : memref<10112x128xf32, #tpu.memory_space<vmem_shared>> -> memref<32x128xf32, #tpu.memory_space<vmem_shared>>
      %dma_start3A_135 = arith.constant 0 : i32
      %dma_start3A_136 = tpu.memref_slice %arg17[%add3A_25, %dma_start3A_135] : memref<10112x128xf32, #tpu.memory_space<vmem_shared>> -> memref<32x128xf32, #tpu.memory_space<vmem_shared>>
      tpu.enqueue_dma source(%arg6 : memref<32x128xf32, #tpu.memory_space<vmem>>) target(%dma_start3A_136 : memref<32x128xf32, #tpu.memory_space<vmem_shared>>) target_semaphore(%run_scoped3A : memref<!tpu.dma_semaphore, #tpu.memory_space<semaphore_mem>>)
      %dma_wait3A_137 = arith.constant 0 : i32
      %dma_wait3A_138 = tpu.memref_slice %arg17[%add3A_25, %dma_wait3A_137] : memref<10112x128xf32, #tpu.memory_space<vmem_shared>> -> memref<32x128xf32, #tpu.memory_space<vmem_shared>>
      %dma_wait3A_139 = arith.constant 0 : i32
      %dma_wait3A_140 = tpu.memref_slice %arg17[%add3A_25, %dma_wait3A_139] : memref<10112x128xf32, #tpu.memory_space<vmem_shared>> -> memref<32x128xf32, #tpu.memory_space<vmem_shared>>
      tpu.wait_dma2 semaphore(%run_scoped3A : memref<!tpu.dma_semaphore, #tpu.memory_space<semaphore_mem>>) src(%arg6 : memref<32x128xf32, #tpu.memory_space<vmem>>) dst(%dma_wait3A_140 : memref<32x128xf32, #tpu.memory_space<vmem_shared>>)
      tpu.yield
    }) : () -> ()
    %add3A_26 = arith.constant 224 : i32
    %add3A_27 = arith.addi %mul3A_11, %add3A_26 : i32
    "tpu.region"() ({
      %run_scoped3A = tpu.sem_alloc : memref<!tpu.dma_semaphore, #tpu.memory_space<semaphore_mem>>
      %dma_start3A_133 = arith.constant 0 : i32
      %dma_start3A_134 = tpu.memref_slice %arg17[%add3A_27, %dma_start3A_133] : memref<10112x128xf32, #tpu.memory_space<vmem_shared>> -> memref<32x128xf32, #tpu.memory_space<vmem_shared>>
      %dma_start3A_135 = arith.constant 0 : i32
      %dma_start3A_136 = tpu.memref_slice %arg17[%add3A_27, %dma_start3A_135] : memref<10112x128xf32, #tpu.memory_space<vmem_shared>> -> memref<32x128xf32, #tpu.memory_space<vmem_shared>>
      tpu.enqueue_dma source(%arg6 : memref<32x128xf32, #tpu.memory_space<vmem>>) target(%dma_start3A_136 : memref<32x128xf32, #tpu.memory_space<vmem_shared>>) target_semaphore(%run_scoped3A : memref<!tpu.dma_semaphore, #tpu.memory_space<semaphore_mem>>)
      %dma_wait3A_137 = arith.constant 0 : i32
      %dma_wait3A_138 = tpu.memref_slice %arg17[%add3A_27, %dma_wait3A_137] : memref<10112x128xf32, #tpu.memory_space<vmem_shared>> -> memref<32x128xf32, #tpu.memory_space<vmem_shared>>
      %dma_wait3A_139 = arith.constant 0 : i32
      %dma_wait3A_140 = tpu.memref_slice %arg17[%add3A_27, %dma_wait3A_139] : memref<10112x128xf32, #tpu.memory_space<vmem_shared>> -> memref<32x128xf32, #tpu.memory_space<vmem_shared>>
      tpu.wait_dma2 semaphore(%run_scoped3A : memref<!tpu.dma_semaphore, #tpu.memory_space<semaphore_mem>>) src(%arg6 : memref<32x128xf32, #tpu.memory_space<vmem>>) dst(%dma_wait3A_140 : memref<32x128xf32, #tpu.memory_space<vmem_shared>>)
      tpu.yield
    }) : () -> ()
    %add3A_28 = arith.constant 256 : i32
    %add3A_29 = arith.addi %mul3A_11, %add3A_28 : i32
    "tpu.region"() ({
      %run_scoped3A = tpu.sem_alloc : memref<!tpu.dma_semaphore, #tpu.memory_space<semaphore_mem>>
      %dma_start3A_133 = arith.constant 0 : i32
      %dma_start3A_134 = tpu.memref_slice %arg17[%add3A_29, %dma_start3A_133] : memref<10112x128xf32, #tpu.memory_space<vmem_shared>> -> memref<32x128xf32, #tpu.memory_space<vmem_shared>>
      %dma_start3A_135 = arith.constant 0 : i32
      %dma_start3A_136 = tpu.memref_slice %arg17[%add3A_29, %dma_start3A_135] : memref<10112x128xf32, #tpu.memory_space<vmem_shared>> -> memref<32x128xf32, #tpu.memory_space<vmem_shared>>
      tpu.enqueue_dma source(%arg6 : memref<32x128xf32, #tpu.memory_space<vmem>>) target(%dma_start3A_136 : memref<32x128xf32, #tpu.memory_space<vmem_shared>>) target_semaphore(%run_scoped3A : memref<!tpu.dma_semaphore, #tpu.memory_space<semaphore_mem>>)
      %dma_wait3A_137 = arith.constant 0 : i32
      %dma_wait3A_138 = tpu.memref_slice %arg17[%add3A_29, %dma_wait3A_137] : memref<10112x128xf32, #tpu.memory_space<vmem_shared>> -> memref<32x128xf32, #tpu.memory_space<vmem_shared>>
      %dma_wait3A_139 = arith.constant 0 : i32
      %dma_wait3A_140 = tpu.memref_slice %arg17[%add3A_29, %dma_wait3A_139] : memref<10112x128xf32, #tpu.memory_space<vmem_shared>> -> memref<32x128xf32, #tpu.memory_space<vmem_shared>>
      tpu.wait_dma2 semaphore(%run_scoped3A : memref<!tpu.dma_semaphore, #tpu.memory_space<semaphore_mem>>) src(%arg6 : memref<32x128xf32, #tpu.memory_space<vmem>>) dst(%dma_wait3A_140 : memref<32x128xf32, #tpu.memory_space<vmem_shared>>)
      tpu.yield
    }) : () -> ()
    %add3A_30 = arith.constant 288 : i32
    %add3A_31 = arith.addi %mul3A_11, %add3A_30 : i32
    "tpu.region"() ({
      %run_scoped3A = tpu.sem_alloc : memref<!tpu.dma_semaphore, #tpu.memory_space<semaphore_mem>>
      %dma_start3A_133 = arith.constant 0 : i32
      %dma_start3A_134 = tpu.memref_slice %arg17[%add3A_31, %dma_start3A_133] : memref<10112x128xf32, #tpu.memory_space<vmem_shared>> -> memref<32x128xf32, #tpu.memory_space<vmem_shared>>
      %dma_start3A_135 = arith.constant 0 : i32
      %dma_start3A_136 = tpu.memref_slice %arg17[%add3A_31, %dma_start3A_135] : memref<10112x128xf32, #tpu.memory_space<vmem_shared>> -> memref<32x128xf32, #tpu.memory_space<vmem_shared>>
      tpu.enqueue_dma source(%arg6 : memref<32x128xf32, #tpu.memory_space<vmem>>) target(%dma_start3A_136 : memref<32x128xf32, #tpu.memory_space<vmem_shared>>) target_semaphore(%run_scoped3A : memref<!tpu.dma_semaphore, #tpu.memory_space<semaphore_mem>>)
      %dma_wait3A_137 = arith.constant 0 : i32
      %dma_wait3A_138 = tpu.memref_slice %arg17[%add3A_31, %dma_wait3A_137] : memref<10112x128xf32, #tpu.memory_space<vmem_shared>> -> memref<32x128xf32, #tpu.memory_space<vmem_shared>>
      %dma_wait3A_139 = arith.constant 0 : i32
      %dma_wait3A_140 = tpu.memref_slice %arg17[%add3A_31, %dma_wait3A_139] : memref<10112x128xf32, #tpu.memory_space<vmem_shared>> -> memref<32x128xf32, #tpu.memory_space<vmem_shared>>
      tpu.wait_dma2 semaphore(%run_scoped3A : memref<!tpu.dma_semaphore, #tpu.memory_space<semaphore_mem>>) src(%arg6 : memref<32x128xf32, #tpu.memory_space<vmem>>) dst(%dma_wait3A_140 : memref<32x128xf32, #tpu.memory_space<vmem_shared>>)
      tpu.yield
    }) : () -> ()
    %add3A_32 = arith.constant 320 : i32
    %add3A_33 = arith.addi %mul3A_11, %add3A_32 : i32
    "tpu.region"() ({
      %run_scoped3A = tpu.sem_alloc : memref<!tpu.dma_semaphore, #tpu.memory_space<semaphore_mem>>
      %dma_start3A_133 = arith.constant 0 : i32
      %dma_start3A_134 = tpu.memref_slice %arg17[%add3A_33, %dma_start3A_133] : memref<10112x128xf32, #tpu.memory_space<vmem_shared>> -> memref<32x128xf32, #tpu.memory_space<vmem_shared>>
      %dma_start3A_135 = arith.constant 0 : i32
      %dma_start3A_136 = tpu.memref_slice %arg17[%add3A_33, %dma_start3A_135] : memref<10112x128xf32, #tpu.memory_space<vmem_shared>> -> memref<32x128xf32, #tpu.memory_space<vmem_shared>>
      tpu.enqueue_dma source(%arg6 : memref<32x128xf32, #tpu.memory_space<vmem>>) target(%dma_start3A_136 : memref<32x128xf32, #tpu.memory_space<vmem_shared>>) target_semaphore(%run_scoped3A : memref<!tpu.dma_semaphore, #tpu.memory_space<semaphore_mem>>)
      %dma_wait3A_137 = arith.constant 0 : i32
      %dma_wait3A_138 = tpu.memref_slice %arg17[%add3A_33, %dma_wait3A_137] : memref<10112x128xf32, #tpu.memory_space<vmem_shared>> -> memref<32x128xf32, #tpu.memory_space<vmem_shared>>
      %dma_wait3A_139 = arith.constant 0 : i32
      %dma_wait3A_140 = tpu.memref_slice %arg17[%add3A_33, %dma_wait3A_139] : memref<10112x128xf32, #tpu.memory_space<vmem_shared>> -> memref<32x128xf32, #tpu.memory_space<vmem_shared>>
      tpu.wait_dma2 semaphore(%run_scoped3A : memref<!tpu.dma_semaphore, #tpu.memory_space<semaphore_mem>>) src(%arg6 : memref<32x128xf32, #tpu.memory_space<vmem>>) dst(%dma_wait3A_140 : memref<32x128xf32, #tpu.memory_space<vmem_shared>>)
      tpu.yield
    }) : () -> ()
    %add3A_34 = arith.constant 352 : i32
    %add3A_35 = arith.addi %mul3A_11, %add3A_34 : i32
    "tpu.region"() ({
      %run_scoped3A = tpu.sem_alloc : memref<!tpu.dma_semaphore, #tpu.memory_space<semaphore_mem>>
      %dma_start3A_133 = arith.constant 0 : i32
      %dma_start3A_134 = tpu.memref_slice %arg17[%add3A_35, %dma_start3A_133] : memref<10112x128xf32, #tpu.memory_space<vmem_shared>> -> memref<32x128xf32, #tpu.memory_space<vmem_shared>>
      %dma_start3A_135 = arith.constant 0 : i32
      %dma_start3A_136 = tpu.memref_slice %arg17[%add3A_35, %dma_start3A_135] : memref<10112x128xf32, #tpu.memory_space<vmem_shared>> -> memref<32x128xf32, #tpu.memory_space<vmem_shared>>
      tpu.enqueue_dma source(%arg6 : memref<32x128xf32, #tpu.memory_space<vmem>>) target(%dma_start3A_136 : memref<32x128xf32, #tpu.memory_space<vmem_shared>>) target_semaphore(%run_scoped3A : memref<!tpu.dma_semaphore, #tpu.memory_space<semaphore_mem>>)
      %dma_wait3A_137 = arith.constant 0 : i32
      %dma_wait3A_138 = tpu.memref_slice %arg17[%add3A_35, %dma_wait3A_137] : memref<10112x128xf32, #tpu.memory_space<vmem_shared>> -> memref<32x128xf32, #tpu.memory_space<vmem_shared>>
      %dma_wait3A_139 = arith.constant 0 : i32
      %dma_wait3A_140 = tpu.memref_slice %arg17[%add3A_35, %dma_wait3A_139] : memref<10112x128xf32, #tpu.memory_space<vmem_shared>> -> memref<32x128xf32, #tpu.memory_space<vmem_shared>>
      tpu.wait_dma2 semaphore(%run_scoped3A : memref<!tpu.dma_semaphore, #tpu.memory_space<semaphore_mem>>) src(%arg6 : memref<32x128xf32, #tpu.memory_space<vmem>>) dst(%dma_wait3A_140 : memref<32x128xf32, #tpu.memory_space<vmem_shared>>)
      tpu.yield
    }) : () -> ()
    %add3A_36 = arith.constant 384 : i32
    %add3A_37 = arith.addi %mul3A_11, %add3A_36 : i32
    "tpu.region"() ({
      %run_scoped3A = tpu.sem_alloc : memref<!tpu.dma_semaphore, #tpu.memory_space<semaphore_mem>>
      %dma_start3A_133 = arith.constant 0 : i32
      %dma_start3A_134 = tpu.memref_slice %arg17[%add3A_37, %dma_start3A_133] : memref<10112x128xf32, #tpu.memory_space<vmem_shared>> -> memref<32x128xf32, #tpu.memory_space<vmem_shared>>
      %dma_start3A_135 = arith.constant 0 : i32
      %dma_start3A_136 = tpu.memref_slice %arg17[%add3A_37, %dma_start3A_135] : memref<10112x128xf32, #tpu.memory_space<vmem_shared>> -> memref<32x128xf32, #tpu.memory_space<vmem_shared>>
      tpu.enqueue_dma source(%arg6 : memref<32x128xf32, #tpu.memory_space<vmem>>) target(%dma_start3A_136 : memref<32x128xf32, #tpu.memory_space<vmem_shared>>) target_semaphore(%run_scoped3A : memref<!tpu.dma_semaphore, #tpu.memory_space<semaphore_mem>>)
      %dma_wait3A_137 = arith.constant 0 : i32
      %dma_wait3A_138 = tpu.memref_slice %arg17[%add3A_37, %dma_wait3A_137] : memref<10112x128xf32, #tpu.memory_space<vmem_shared>> -> memref<32x128xf32, #tpu.memory_space<vmem_shared>>
      %dma_wait3A_139 = arith.constant 0 : i32
      %dma_wait3A_140 = tpu.memref_slice %arg17[%add3A_37, %dma_wait3A_139] : memref<10112x128xf32, #tpu.memory_space<vmem_shared>> -> memref<32x128xf32, #tpu.memory_space<vmem_shared>>
      tpu.wait_dma2 semaphore(%run_scoped3A : memref<!tpu.dma_semaphore, #tpu.memory_space<semaphore_mem>>) src(%arg6 : memref<32x128xf32, #tpu.memory_space<vmem>>) dst(%dma_wait3A_140 : memref<32x128xf32, #tpu.memory_space<vmem_shared>>)
      tpu.yield
    }) : () -> ()
    %add3A_38 = arith.constant 416 : i32
    %add3A_39 = arith.addi %mul3A_11, %add3A_38 : i32
    "tpu.region"() ({
      %run_scoped3A = tpu.sem_alloc : memref<!tpu.dma_semaphore, #tpu.memory_space<semaphore_mem>>
      %dma_start3A_133 = arith.constant 0 : i32
      %dma_start3A_134 = tpu.memref_slice %arg17[%add3A_39, %dma_start3A_133] : memref<10112x128xf32, #tpu.memory_space<vmem_shared>> -> memref<32x128xf32, #tpu.memory_space<vmem_shared>>
      %dma_start3A_135 = arith.constant 0 : i32
      %dma_start3A_136 = tpu.memref_slice %arg17[%add3A_39, %dma_start3A_135] : memref<10112x128xf32, #tpu.memory_space<vmem_shared>> -> memref<32x128xf32, #tpu.memory_space<vmem_shared>>
      tpu.enqueue_dma source(%arg6 : memref<32x128xf32, #tpu.memory_space<vmem>>) target(%dma_start3A_136 : memref<32x128xf32, #tpu.memory_space<vmem_shared>>) target_semaphore(%run_scoped3A : memref<!tpu.dma_semaphore, #tpu.memory_space<semaphore_mem>>)
      %dma_wait3A_137 = arith.constant 0 : i32
      %dma_wait3A_138 = tpu.memref_slice %arg17[%add3A_39, %dma_wait3A_137] : memref<10112x128xf32, #tpu.memory_space<vmem_shared>> -> memref<32x128xf32, #tpu.memory_space<vmem_shared>>
      %dma_wait3A_139 = arith.constant 0 : i32
      %dma_wait3A_140 = tpu.memref_slice %arg17[%add3A_39, %dma_wait3A_139] : memref<10112x128xf32, #tpu.memory_space<vmem_shared>> -> memref<32x128xf32, #tpu.memory_space<vmem_shared>>
      tpu.wait_dma2 semaphore(%run_scoped3A : memref<!tpu.dma_semaphore, #tpu.memory_space<semaphore_mem>>) src(%arg6 : memref<32x128xf32, #tpu.memory_space<vmem>>) dst(%dma_wait3A_140 : memref<32x128xf32, #tpu.memory_space<vmem_shared>>)
      tpu.yield
    }) : () -> ()
    %add3A_40 = arith.constant 448 : i32
    %add3A_41 = arith.addi %mul3A_11, %add3A_40 : i32
    "tpu.region"() ({
      %run_scoped3A = tpu.sem_alloc : memref<!tpu.dma_semaphore, #tpu.memory_space<semaphore_mem>>
      %dma_start3A_133 = arith.constant 0 : i32
      %dma_start3A_134 = tpu.memref_slice %arg17[%add3A_41, %dma_start3A_133] : memref<10112x128xf32, #tpu.memory_space<vmem_shared>> -> memref<32x128xf32, #tpu.memory_space<vmem_shared>>
      %dma_start3A_135 = arith.constant 0 : i32
      %dma_start3A_136 = tpu.memref_slice %arg17[%add3A_41, %dma_start3A_135] : memref<10112x128xf32, #tpu.memory_space<vmem_shared>> -> memref<32x128xf32, #tpu.memory_space<vmem_shared>>
      tpu.enqueue_dma source(%arg6 : memref<32x128xf32, #tpu.memory_space<vmem>>) target(%dma_start3A_136 : memref<32x128xf32, #tpu.memory_space<vmem_shared>>) target_semaphore(%run_scoped3A : memref<!tpu.dma_semaphore, #tpu.memory_space<semaphore_mem>>)
      %dma_wait3A_137 = arith.constant 0 : i32
      %dma_wait3A_138 = tpu.memref_slice %arg17[%add3A_41, %dma_wait3A_137] : memref<10112x128xf32, #tpu.memory_space<vmem_shared>> -> memref<32x128xf32, #tpu.memory_space<vmem_shared>>
      %dma_wait3A_139 = arith.constant 0 : i32
      %dma_wait3A_140 = tpu.memref_slice %arg17[%add3A_41, %dma_wait3A_139] : memref<10112x128xf32, #tpu.memory_space<vmem_shared>> -> memref<32x128xf32, #tpu.memory_space<vmem_shared>>
      tpu.wait_dma2 semaphore(%run_scoped3A : memref<!tpu.dma_semaphore, #tpu.memory_space<semaphore_mem>>) src(%arg6 : memref<32x128xf32, #tpu.memory_space<vmem>>) dst(%dma_wait3A_140 : memref<32x128xf32, #tpu.memory_space<vmem_shared>>)
      tpu.yield
    }) : () -> ()
    %add3A_42 = arith.constant 480 : i32
    %add3A_43 = arith.addi %mul3A_11, %add3A_42 : i32
    "tpu.region"() ({
      %run_scoped3A = tpu.sem_alloc : memref<!tpu.dma_semaphore, #tpu.memory_space<semaphore_mem>>
      %dma_start3A_133 = arith.constant 0 : i32
      %dma_start3A_134 = tpu.memref_slice %arg17[%add3A_43, %dma_start3A_133] : memref<10112x128xf32, #tpu.memory_space<vmem_shared>> -> memref<32x128xf32, #tpu.memory_space<vmem_shared>>
      %dma_start3A_135 = arith.constant 0 : i32
      %dma_start3A_136 = tpu.memref_slice %arg17[%add3A_43, %dma_start3A_135] : memref<10112x128xf32, #tpu.memory_space<vmem_shared>> -> memref<32x128xf32, #tpu.memory_space<vmem_shared>>
      tpu.enqueue_dma source(%arg6 : memref<32x128xf32, #tpu.memory_space<vmem>>) target(%dma_start3A_136 : memref<32x128xf32, #tpu.memory_space<vmem_shared>>) target_semaphore(%run_scoped3A : memref<!tpu.dma_semaphore, #tpu.memory_space<semaphore_mem>>)
      %dma_wait3A_137 = arith.constant 0 : i32
      %dma_wait3A_138 = tpu.memref_slice %arg17[%add3A_43, %dma_wait3A_137] : memref<10112x128xf32, #tpu.memory_space<vmem_shared>> -> memref<32x128xf32, #tpu.memory_space<vmem_shared>>
      %dma_wait3A_139 = arith.constant 0 : i32
      %dma_wait3A_140 = tpu.memref_slice %arg17[%add3A_43, %dma_wait3A_139] : memref<10112x128xf32, #tpu.memory_space<vmem_shared>> -> memref<32x128xf32, #tpu.memory_space<vmem_shared>>
      tpu.wait_dma2 semaphore(%run_scoped3A : memref<!tpu.dma_semaphore, #tpu.memory_space<semaphore_mem>>) src(%arg6 : memref<32x128xf32, #tpu.memory_space<vmem>>) dst(%dma_wait3A_140 : memref<32x128xf32, #tpu.memory_space<vmem_shared>>)
      tpu.yield
    }) : () -> ()
    %add3A_44 = arith.constant 512 : i32
    %add3A_45 = arith.addi %mul3A_11, %add3A_44 : i32
    "tpu.region"() ({
      %run_scoped3A = tpu.sem_alloc : memref<!tpu.dma_semaphore, #tpu.memory_space<semaphore_mem>>
      %dma_start3A_133 = arith.constant 0 : i32
      %dma_start3A_134 = tpu.memref_slice %arg17[%add3A_45, %dma_start3A_133] : memref<10112x128xf32, #tpu.memory_space<vmem_shared>> -> memref<32x128xf32, #tpu.memory_space<vmem_shared>>
      %dma_start3A_135 = arith.constant 0 : i32
      %dma_start3A_136 = tpu.memref_slice %arg17[%add3A_45, %dma_start3A_135] : memref<10112x128xf32, #tpu.memory_space<vmem_shared>> -> memref<32x128xf32, #tpu.memory_space<vmem_shared>>
      tpu.enqueue_dma source(%arg6 : memref<32x128xf32, #tpu.memory_space<vmem>>) target(%dma_start3A_136 : memref<32x128xf32, #tpu.memory_space<vmem_shared>>) target_semaphore(%run_scoped3A : memref<!tpu.dma_semaphore, #tpu.memory_space<semaphore_mem>>)
      %dma_wait3A_137 = arith.constant 0 : i32
      %dma_wait3A_138 = tpu.memref_slice %arg17[%add3A_45, %dma_wait3A_137] : memref<10112x128xf32, #tpu.memory_space<vmem_shared>> -> memref<32x128xf32, #tpu.memory_space<vmem_shared>>
      %dma_wait3A_139 = arith.constant 0 : i32
      %dma_wait3A_140 = tpu.memref_slice %arg17[%add3A_45, %dma_wait3A_139] : memref<10112x128xf32, #tpu.memory_space<vmem_shared>> -> memref<32x128xf32, #tpu.memory_space<vmem_shared>>
      tpu.wait_dma2 semaphore(%run_scoped3A : memref<!tpu.dma_semaphore, #tpu.memory_space<semaphore_mem>>) src(%arg6 : memref<32x128xf32, #tpu.memory_space<vmem>>) dst(%dma_wait3A_140 : memref<32x128xf32, #tpu.memory_space<vmem_shared>>)
      tpu.yield
    }) : () -> ()
    %add3A_46 = arith.constant 544 : i32
    %add3A_47 = arith.addi %mul3A_11, %add3A_46 : i32
    "tpu.region"() ({
      %run_scoped3A = tpu.sem_alloc : memref<!tpu.dma_semaphore, #tpu.memory_space<semaphore_mem>>
      %dma_start3A_133 = arith.constant 0 : i32
      %dma_start3A_134 = tpu.memref_slice %arg17[%add3A_47, %dma_start3A_133] : memref<10112x128xf32, #tpu.memory_space<vmem_shared>> -> memref<32x128xf32, #tpu.memory_space<vmem_shared>>
      %dma_start3A_135 = arith.constant 0 : i32
      %dma_start3A_136 = tpu.memref_slice %arg17[%add3A_47, %dma_start3A_135] : memref<10112x128xf32, #tpu.memory_space<vmem_shared>> -> memref<32x128xf32, #tpu.memory_space<vmem_shared>>
      tpu.enqueue_dma source(%arg6 : memref<32x128xf32, #tpu.memory_space<vmem>>) target(%dma_start3A_136 : memref<32x128xf32, #tpu.memory_space<vmem_shared>>) target_semaphore(%run_scoped3A : memref<!tpu.dma_semaphore, #tpu.memory_space<semaphore_mem>>)
      %dma_wait3A_137 = arith.constant 0 : i32
      %dma_wait3A_138 = tpu.memref_slice %arg17[%add3A_47, %dma_wait3A_137] : memref<10112x128xf32, #tpu.memory_space<vmem_shared>> -> memref<32x128xf32, #tpu.memory_space<vmem_shared>>
      %dma_wait3A_139 = arith.constant 0 : i32
      %dma_wait3A_140 = tpu.memref_slice %arg17[%add3A_47, %dma_wait3A_139] : memref<10112x128xf32, #tpu.memory_space<vmem_shared>> -> memref<32x128xf32, #tpu.memory_space<vmem_shared>>
      tpu.wait_dma2 semaphore(%run_scoped3A : memref<!tpu.dma_semaphore, #tpu.memory_space<semaphore_mem>>) src(%arg6 : memref<32x128xf32, #tpu.memory_space<vmem>>) dst(%dma_wait3A_140 : memref<32x128xf32, #tpu.memory_space<vmem_shared>>)
      tpu.yield
    }) : () -> ()
    %add3A_48 = arith.constant 576 : i32
    %add3A_49 = arith.addi %mul3A_11, %add3A_48 : i32
    "tpu.region"() ({
      %run_scoped3A = tpu.sem_alloc : memref<!tpu.dma_semaphore, #tpu.memory_space<semaphore_mem>>
      %dma_start3A_133 = arith.constant 0 : i32
      %dma_start3A_134 = tpu.memref_slice %arg17[%add3A_49, %dma_start3A_133] : memref<10112x128xf32, #tpu.memory_space<vmem_shared>> -> memref<32x128xf32, #tpu.memory_space<vmem_shared>>
      %dma_start3A_135 = arith.constant 0 : i32
      %dma_start3A_136 = tpu.memref_slice %arg17[%add3A_49, %dma_start3A_135] : memref<10112x128xf32, #tpu.memory_space<vmem_shared>> -> memref<32x128xf32, #tpu.memory_space<vmem_shared>>
      tpu.enqueue_dma source(%arg6 : memref<32x128xf32, #tpu.memory_space<vmem>>) target(%dma_start3A_136 : memref<32x128xf32, #tpu.memory_space<vmem_shared>>) target_semaphore(%run_scoped3A : memref<!tpu.dma_semaphore, #tpu.memory_space<semaphore_mem>>)
      %dma_wait3A_137 = arith.constant 0 : i32
      %dma_wait3A_138 = tpu.memref_slice %arg17[%add3A_49, %dma_wait3A_137] : memref<10112x128xf32, #tpu.memory_space<vmem_shared>> -> memref<32x128xf32, #tpu.memory_space<vmem_shared>>
      %dma_wait3A_139 = arith.constant 0 : i32
      %dma_wait3A_140 = tpu.memref_slice %arg17[%add3A_49, %dma_wait3A_139] : memref<10112x128xf32, #tpu.memory_space<vmem_shared>> -> memref<32x128xf32, #tpu.memory_space<vmem_shared>>
      tpu.wait_dma2 semaphore(%run_scoped3A : memref<!tpu.dma_semaphore, #tpu.memory_space<semaphore_mem>>) src(%arg6 : memref<32x128xf32, #tpu.memory_space<vmem>>) dst(%dma_wait3A_140 : memref<32x128xf32, #tpu.memory_space<vmem_shared>>)
      tpu.yield
    }) : () -> ()
    %add3A_50 = arith.constant 608 : i32
    %add3A_51 = arith.addi %mul3A_11, %add3A_50 : i32
    "tpu.region"() ({
      %run_scoped3A = tpu.sem_alloc : memref<!tpu.dma_semaphore, #tpu.memory_space<semaphore_mem>>
      %dma_start3A_133 = arith.constant 0 : i32
      %dma_start3A_134 = arith.constant 0 : i32
      %dma_start3A_135 = tpu.memref_slice %arg6[%dma_start3A_133, %dma_start3A_134] : memref<32x128xf32, #tpu.memory_space<vmem>> -> memref<24x128xf32, #tpu.memory_space<vmem>>
      %dma_start3A_136 = arith.constant 0 : i32
      %dma_start3A_137 = tpu.memref_slice %arg17[%add3A_51, %dma_start3A_136] : memref<10112x128xf32, #tpu.memory_space<vmem_shared>> -> memref<24x128xf32, #tpu.memory_space<vmem_shared>>
      %dma_start3A_138 = arith.constant 0 : i32
      %dma_start3A_139 = tpu.memref_slice %arg17[%add3A_51, %dma_start3A_138] : memref<10112x128xf32, #tpu.memory_space<vmem_shared>> -> memref<24x128xf32, #tpu.memory_space<vmem_shared>>
      %dma_start3A_140 = arith.constant 0 : i32
      %dma_start3A_141 = arith.constant 0 : i32
      %dma_start3A_142 = tpu.memref_slice %arg6[%dma_start3A_140, %dma_start3A_141] : memref<32x128xf32, #tpu.memory_space<vmem>> -> memref<24x128xf32, #tpu.memory_space<vmem>>
      tpu.enqueue_dma source(%dma_start3A_142 : memref<24x128xf32, #tpu.memory_space<vmem>>) target(%dma_start3A_139 : memref<24x128xf32, #tpu.memory_space<vmem_shared>>) target_semaphore(%run_scoped3A : memref<!tpu.dma_semaphore, #tpu.memory_space<semaphore_mem>>)
      %dma_wait3A_143 = arith.constant 0 : i32
      %dma_wait3A_144 = arith.constant 0 : i32
      %dma_wait3A_145 = tpu.memref_slice %arg6[%dma_wait3A_143, %dma_wait3A_144] : memref<32x128xf32, #tpu.memory_space<vmem>> -> memref<24x128xf32, #tpu.memory_space<vmem>>
      %dma_wait3A_146 = arith.constant 0 : i32
      %dma_wait3A_147 = tpu.memref_slice %arg17[%add3A_51, %dma_wait3A_146] : memref<10112x128xf32, #tpu.memory_space<vmem_shared>> -> memref<24x128xf32, #tpu.memory_space<vmem_shared>>
      %dma_wait3A_148 = arith.constant 0 : i32
      %dma_wait3A_149 = tpu.memref_slice %arg17[%add3A_51, %dma_wait3A_148] : memref<10112x128xf32, #tpu.memory_space<vmem_shared>> -> memref<24x128xf32, #tpu.memory_space<vmem_shared>>
      %dma_wait3A_150 = arith.constant 0 : i32
      %dma_wait3A_151 = arith.constant 0 : i32
      %dma_wait3A_152 = tpu.memref_slice %arg6[%dma_wait3A_150, %dma_wait3A_151] : memref<32x128xf32, #tpu.memory_space<vmem>> -> memref<24x128xf32, #tpu.memory_space<vmem>>
      tpu.wait_dma2 semaphore(%run_scoped3A : memref<!tpu.dma_semaphore, #tpu.memory_space<semaphore_mem>>) src(%dma_wait3A_152 : memref<24x128xf32, #tpu.memory_space<vmem>>) dst(%dma_wait3A_149 : memref<24x128xf32, #tpu.memory_space<vmem_shared>>)
      tpu.yield
    }) : () -> ()
    %barrier3A = arith.constant 0 : index
    tpu.barrier barrier_id(%barrier3A)
    %mul3A_52 = arith.constant 20224 : i32
    %mul3A_53 = arith.muli %arg1, %mul3A_52 : i32
    %broadcast_in_dim3A = arith.constant 10096 : i32
    %broadcast_in_dim3A_54 = vector.broadcast %broadcast_in_dim3A : i32 to vector<16xi32>
    %iota3A = tpu.iota {dimensions = array<i32: 0>} : vector<16xi32>
    %add3A_55 = arith.addi %broadcast_in_dim3A_54, %iota3A : vector<16xi32>
    %add3A_56 = arith.constant 0 : i32
    %add3A_57 = arith.addi %mul3A_53, %add3A_56 : i32
    "tpu.region"() ({
      %run_scoped3A = tpu.sem_alloc : memref<!tpu.dma_semaphore, #tpu.memory_space<semaphore_mem>>
      %dma_start3A_133 = tpu.memref_slice %arg3[%add3A_57] : memref<323584xi32, #tpu.memory_space<hbm>> -> memref<32xi32, #tpu.memory_space<hbm>>
      %dma_start3A_134 = tpu.memref_slice %arg3[%add3A_57] : memref<323584xi32, #tpu.memory_space<hbm>> -> memref<32xi32, #tpu.memory_space<hbm>>
      tpu.enqueue_dma source(%dma_start3A_134 : memref<32xi32, #tpu.memory_space<hbm>>) target(%arg8 : memref<32xi32, #tpu.memory_space<vmem>>) target_semaphore(%run_scoped3A : memref<!tpu.dma_semaphore, #tpu.memory_space<semaphore_mem>>)
      %dma_wait3A_135 = tpu.memref_slice %arg3[%add3A_57] : memref<323584xi32, #tpu.memory_space<hbm>> -> memref<32xi32, #tpu.memory_space<hbm>>
      %dma_wait3A_136 = tpu.memref_slice %arg3[%add3A_57] : memref<323584xi32, #tpu.memory_space<hbm>> -> memref<32xi32, #tpu.memory_space<hbm>>
      tpu.wait_dma2 semaphore(%run_scoped3A : memref<!tpu.dma_semaphore, #tpu.memory_space<semaphore_mem>>) src(%dma_wait3A_136 : memref<32xi32, #tpu.memory_space<hbm>>) dst(%arg8 : memref<32xi32, #tpu.memory_space<vmem>>)
      tpu.yield
    }) : () -> ()
    %add3A_58 = arith.constant 0 : i32
    %add3A_59 = arith.addi %mul3A_53, %add3A_58 : i32
    "tpu.region"() ({
      %run_scoped3A = tpu.sem_alloc : memref<!tpu.dma_semaphore, #tpu.memory_space<semaphore_mem>>
      %dma_start3A_133 = tpu.memref_slice %arg4[%add3A_59] : memref<323584xi32, #tpu.memory_space<hbm>> -> memref<32xi32, #tpu.memory_space<hbm>>
      %dma_start3A_134 = tpu.memref_slice %arg4[%add3A_59] : memref<323584xi32, #tpu.memory_space<hbm>> -> memref<32xi32, #tpu.memory_space<hbm>>
      tpu.enqueue_dma source(%dma_start3A_134 : memref<32xi32, #tpu.memory_space<hbm>>) target(%arg12 : memref<32xi32, #tpu.memory_space<vmem>>) target_semaphore(%run_scoped3A : memref<!tpu.dma_semaphore, #tpu.memory_space<semaphore_mem>>)
      %dma_wait3A_135 = tpu.memref_slice %arg4[%add3A_59] : memref<323584xi32, #tpu.memory_space<hbm>> -> memref<32xi32, #tpu.memory_space<hbm>>
      %dma_wait3A_136 = tpu.memref_slice %arg4[%add3A_59] : memref<323584xi32, #tpu.memory_space<hbm>> -> memref<32xi32, #tpu.memory_space<hbm>>
      tpu.wait_dma2 semaphore(%run_scoped3A : memref<!tpu.dma_semaphore, #tpu.memory_space<semaphore_mem>>) src(%dma_wait3A_136 : memref<32xi32, #tpu.memory_space<hbm>>) dst(%arg12 : memref<32xi32, #tpu.memory_space<vmem>>)
      tpu.yield
    }) : () -> ()
    %add3A_60 = arith.constant 32 : i32
    %add3A_61 = arith.addi %mul3A_53, %add3A_60 : i32
    "tpu.region"() ({
      %run_scoped3A = tpu.sem_alloc : memref<!tpu.dma_semaphore, #tpu.memory_space<semaphore_mem>>
      %dma_start3A_133 = tpu.memref_slice %arg3[%add3A_61] : memref<323584xi32, #tpu.memory_space<hbm>> -> memref<32xi32, #tpu.memory_space<hbm>>
      %dma_start3A_134 = tpu.memref_slice %arg3[%add3A_61] : memref<323584xi32, #tpu.memory_space<hbm>> -> memref<32xi32, #tpu.memory_space<hbm>>
      tpu.enqueue_dma source(%dma_start3A_134 : memref<32xi32, #tpu.memory_space<hbm>>) target(%arg9 : memref<32xi32, #tpu.memory_space<vmem>>) target_semaphore(%run_scoped3A : memref<!tpu.dma_semaphore, #tpu.memory_space<semaphore_mem>>)
      %dma_wait3A_135 = tpu.memref_slice %arg3[%add3A_61] : memref<323584xi32, #tpu.memory_space<hbm>> -> memref<32xi32, #tpu.memory_space<hbm>>
      %dma_wait3A_136 = tpu.memref_slice %arg3[%add3A_61] : memref<323584xi32, #tpu.memory_space<hbm>> -> memref<32xi32, #tpu.memory_space<hbm>>
      tpu.wait_dma2 semaphore(%run_scoped3A : memref<!tpu.dma_semaphore, #tpu.memory_space<semaphore_mem>>) src(%dma_wait3A_136 : memref<32xi32, #tpu.memory_space<hbm>>) dst(%arg9 : memref<32xi32, #tpu.memory_space<vmem>>)
      tpu.yield
    }) : () -> ()
    %add3A_62 = arith.constant 32 : i32
    %add3A_63 = arith.addi %mul3A_53, %add3A_62 : i32
    "tpu.region"() ({
      %run_scoped3A = tpu.sem_alloc : memref<!tpu.dma_semaphore, #tpu.memory_space<semaphore_mem>>
      %dma_start3A_133 = tpu.memref_slice %arg4[%add3A_63] : memref<323584xi32, #tpu.memory_space<hbm>> -> memref<32xi32, #tpu.memory_space<hbm>>
      %dma_start3A_134 = tpu.memref_slice %arg4[%add3A_63] : memref<323584xi32, #tpu.memory_space<hbm>> -> memref<32xi32, #tpu.memory_space<hbm>>
      tpu.enqueue_dma source(%dma_start3A_134 : memref<32xi32, #tpu.memory_space<hbm>>) target(%arg13 : memref<32xi32, #tpu.memory_space<vmem>>) target_semaphore(%run_scoped3A : memref<!tpu.dma_semaphore, #tpu.memory_space<semaphore_mem>>)
      %dma_wait3A_135 = tpu.memref_slice %arg4[%add3A_63] : memref<323584xi32, #tpu.memory_space<hbm>> -> memref<32xi32, #tpu.memory_space<hbm>>
      %dma_wait3A_136 = tpu.memref_slice %arg4[%add3A_63] : memref<323584xi32, #tpu.memory_space<hbm>> -> memref<32xi32, #tpu.memory_space<hbm>>
      tpu.wait_dma2 semaphore(%run_scoped3A : memref<!tpu.dma_semaphore, #tpu.memory_space<semaphore_mem>>) src(%dma_wait3A_136 : memref<32xi32, #tpu.memory_space<hbm>>) dst(%arg13 : memref<32xi32, #tpu.memory_space<vmem>>)
      tpu.yield
    }) : () -> ()
    %get3A = arith.constant 0 : index
    %get3A_64 = tpu.vector_load %arg8[%get3A] {strides = array<i32>} : memref<32xi32, #tpu.memory_space<vmem>>, vector<16xi32>,
    %get3A_65 = vector.shape_cast %get3A_64 : vector<16xi32> to vector<16xi32>
    %sub3A = vector.broadcast %mul3A_0 : i32 to vector<16xi32>
    %sub3A_66 = arith.subi %get3A_65, %sub3A : vector<16xi32>
    %get3A_67 = arith.constant 0 : index
    %get3A_68 = tpu.vector_load %arg12[%get3A_67] {strides = array<i32>} : memref<32xi32, #tpu.memory_space<vmem>>, vector<16xi32>,
    %get3A_69 = vector.shape_cast %get3A_68 : vector<16xi32> to vector<16xi32>
    %ge3A = arith.constant 0 : i32
    %ge3A_70 = vector.broadcast %ge3A : i32 to vector<16xi32>
    %ge3A_71 = arith.cmpi sge, %sub3A_66, %ge3A_70 : vector<16xi32>
    %lt3A = arith.constant 5120 : i32
    %lt3A_72 = vector.broadcast %lt3A : i32 to vector<16xi32>
    %lt3A_73 = arith.cmpi slt, %sub3A_66, %lt3A_72 : vector<16xi32>
    %and3A = arith.andi %ge3A_71, %lt3A_73 : vector<16xi1>
    %jit3A = arith.constant 0 : i32
    %broadcast_in_dim3A_74 = vector.broadcast %jit3A : i32 to vector<16xi32>
    %select_n3A = arith.select %and3A, %sub3A_66, %broadcast_in_dim3A_74 : vector<16xi1>, vector<16xi32>
    %swap3A = arith.constant 0 : index
    %swap3A_75 = tpu.vector_load %arg8[%swap3A] {strides = array<i32>} : memref<32xi32, #tpu.memory_space<vmem>>, vector<16xi32>,
    %swap3A_76 = vector.shape_cast %swap3A_75 : vector<16xi32> to vector<16xi32>
    %swap3A_77 = vector.shape_cast %select_n3A : vector<16xi32> to vector<16xi32>
    tpu.vector_store %arg8[%swap3A], %swap3A_77 {strides = array<i32>} : memref<32xi32, #tpu.memory_space<vmem>>, vector<16xi32>,
    %select_n3A_78 = arith.select %and3A, %get3A_69, %add3A_55 : vector<16xi1>, vector<16xi32>
    %swap3A_79 = arith.constant 0 : index
    %swap3A_80 = tpu.vector_load %arg12[%swap3A_79] {strides = array<i32>} : memref<32xi32, #tpu.memory_space<vmem>>, vector<16xi32>,
    %swap3A_81 = vector.shape_cast %swap3A_80 : vector<16xi32> to vector<16xi32>
    %swap3A_82 = vector.shape_cast %select_n3A_78 : vector<16xi32> to vector<16xi32>
    tpu.vector_store %arg12[%swap3A_79], %swap3A_82 {strides = array<i32>} : memref<32xi32, #tpu.memory_space<vmem>>, vector<16xi32>,
    %get3A_83 = arith.constant 16 : index
    %get3A_84 = tpu.vector_load %arg8[%get3A_83] {strides = array<i32>} : memref<32xi32, #tpu.memory_space<vmem>>, vector<16xi32>,
    %get3A_85 = vector.shape_cast %get3A_84 : vector<16xi32> to vector<16xi32>
    %sub3A_86 = vector.broadcast %mul3A_0 : i32 to vector<16xi32>
    %sub3A_87 = arith.subi %get3A_85, %sub3A_86 : vector<16xi32>
    %get3A_88 = arith.constant 16 : index
    %get3A_89 = tpu.vector_load %arg12[%get3A_88] {strides = array<i32>} : memref<32xi32, #tpu.memory_space<vmem>>, vector<16xi32>,
    %get3A_90 = vector.shape_cast %get3A_89 : vector<16xi32> to vector<16xi32>
    %ge3A_91 = arith.constant 0 : i32
    %ge3A_92 = vector.broadcast %ge3A_91 : i32 to vector<16xi32>
    %ge3A_93 = arith.cmpi sge, %sub3A_87, %ge3A_92 : vector<16xi32>
    %lt3A_94 = arith.constant 5120 : i32
    %lt3A_95 = vector.broadcast %lt3A_94 : i32 to vector<16xi32>
    %lt3A_96 = arith.cmpi slt, %sub3A_87, %lt3A_95 : vector<16xi32>
    %and3A_97 = arith.andi %ge3A_93, %lt3A_96 : vector<16xi1>
    %jit3A_98 = arith.constant 0 : i32
    %broadcast_in_dim3A_99 = vector.broadcast %jit3A_98 : i32 to vector<16xi32>
    %select_n3A_100 = arith.select %and3A_97, %sub3A_87, %broadcast_in_dim3A_99 : vector<16xi1>, vector<16xi32>
    %swap3A_101 = arith.constant 16 : index
    %swap3A_102 = tpu.vector_load %arg8[%swap3A_101] {strides = array<i32>} : memref<32xi32, #tpu.memory_space<vmem>>, vector<16xi32>,
    %swap3A_103 = vector.shape_cast %swap3A_102 : vector<16xi32> to vector<16xi32>
    %swap3A_104 = vector.shape_cast %select_n3A_100 : vector<16xi32> to vector<16xi32>
    tpu.vector_store %arg8[%swap3A_101], %swap3A_104 {strides = array<i32>} : memref<32xi32, #tpu.memory_space<vmem>>, vector<16xi32>,
    %select_n3A_105 = arith.select %and3A_97, %get3A_90, %add3A_55 : vector<16xi1>, vector<16xi32>
    %swap3A_106 = arith.constant 16 : index
    %swap3A_107 = tpu.vector_load %arg12[%swap3A_106] {strides = array<i32>} : memref<32xi32, #tpu.memory_space<vmem>>, vector<16xi32>,
    %swap3A_108 = vector.shape_cast %swap3A_107 : vector<16xi32> to vector<16xi32>
    %swap3A_109 = vector.shape_cast %select_n3A_105 : vector<16xi32> to vector<16xi32>
    tpu.vector_store %arg12[%swap3A_106], %swap3A_109 {strides = array<i32>} : memref<32xi32, #tpu.memory_space<vmem>>, vector<16xi32>,
    %dma_start3A = arith.constant 0 : i32
    %dma_start3A_110 = arith.constant 0 : i32
    %dma_start3A_111 = tpu.memref_slice %arg16[%dma_start3A, %dma_start3A_110] : memref<5120x128xf32, #tpu.memory_space<vmem_shared>> -> memref<5120x128xf32, #tpu.memory_space<vmem_shared>>
    tpu.enqueue_indirect_dma source(%dma_start3A_111 : memref<5120x128xf32, #tpu.memory_space<vmem_shared>>) target(%arg6 : memref<32x128xf32, #tpu.memory_space<vmem>>) offsets(%arg8 : memref<32xi32, #tpu.memory_space<vmem>>) semaphore(%arg18 : memref<!tpu.dma_semaphore, #tpu.memory_space<semaphore_mem>>)
    %scan3A_112 = arith.constant 0 : i32
    %scan3A_113 = arith.constant 0 : i32
    %scan3A_114 = arith.constant 158 : i32
    %scan3A_115 = arith.addi %scan3A_113, %scan3A_114 : i32
    %scan3A_116 = arith.constant 1 : i32
    scf.for %scan3A_133 = %scan3A_113 to %scan3A_115 step %scan3A_116  : i32 {
      %mul3A_134 = arith.constant 4 : i32
      %mul3A_135 = arith.muli %scan3A_133, %mul3A_134 : i32
      %add3A_136 = arith.constant 0 : i32
      %add3A_137 = arith.addi %mul3A_135, %add3A_136 : i32
      %dma_wait3A_138 = arith.constant 0 : i32
      %dma_wait3A_139 = arith.constant 0 : i32
      %dma_wait3A_140 = tpu.memref_slice %arg2[%dma_wait3A_138, %dma_wait3A_139] : memref<10240x128xf32, #tpu.memory_space<hbm>> -> memref<32x128xf32, #tpu.memory_space<hbm>>
      %dma_wait3A_141 = arith.constant 0 : i32
      %dma_wait3A_142 = arith.constant 0 : i32
      %dma_wait3A_143 = tpu.memref_slice %arg2[%dma_wait3A_141, %dma_wait3A_142] : memref<10240x128xf32, #tpu.memory_space<hbm>> -> memref<32x128xf32, #tpu.memory_space<hbm>>
      tpu.wait_dma2 semaphore(%arg18 : memref<!tpu.dma_semaphore, #tpu.memory_space<semaphore_mem>>) src(%dma_wait3A_143 : memref<32x128xf32, #tpu.memory_space<hbm>>) dst(%arg6 : memref<32x128xf32, #tpu.memory_space<vmem>>)
      %dma_start3A_144 = arith.constant 0 : i32
      %dma_start3A_145 = arith.constant 0 : i32
      %dma_start3A_146 = tpu.memref_slice %arg17[%dma_start3A_144, %dma_start3A_145] : memref<10112x128xf32, #tpu.memory_space<vmem_shared>> -> memref<10112x128xf32, #tpu.memory_space<vmem_shared>>
      tpu.enqueue_indirect_dma source(%arg6 : memref<32x128xf32, #tpu.memory_space<vmem>>) target(%dma_start3A_146 : memref<10112x128xf32, #tpu.memory_space<vmem_shared>>) offsets(%arg12 : memref<32xi32, #tpu.memory_space<vmem>>) semaphore(%arg20 : memref<!tpu.dma_semaphore, #tpu.memory_space<semaphore_mem>>) {add = true}
      %add3A_147 = arith.constant 1 : i32
      %add3A_148 = arith.addi %add3A_137, %add3A_147 : i32
      %lt3A_149 = arith.constant 632 : i32
      %lt3A_150 = arith.cmpi slt, %add3A_148, %lt3A_149 : i32
      %convert_element_type3A = arith.extui %lt3A_150 : i1 to i32
      %cond3A = arith.constant 0 : i32
      %cond3A_151 = arith.cmpi ne, %convert_element_type3A, %cond3A : i32
      scf.if %cond3A_151 {
        %ge3A_234 = arith.constant 1 : i32
        %ge3A_235 = arith.cmpi sge, %add3A_137, %ge3A_234 : i32
        %convert_element_type3A_236 = arith.extui %ge3A_235 : i1 to i32
        %cond3A_237 = arith.constant 0 : i32
        %cond3A_238 = arith.cmpi ne, %convert_element_type3A_236, %cond3A_237 : i32
        scf.if %cond3A_238 {
          %dma_wait3A_296 = arith.constant 0 : i32
          %dma_wait3A_297 = arith.constant 0 : i32
          %dma_wait3A_298 = tpu.memref_slice %arg2[%dma_wait3A_296, %dma_wait3A_297] : memref<10240x128xf32, #tpu.memory_space<hbm>> -> memref<32x128xf32, #tpu.memory_space<hbm>>
          %dma_wait3A_299 = arith.constant 0 : i32
          %dma_wait3A_300 = arith.constant 0 : i32
          %dma_wait3A_301 = tpu.memref_slice %arg2[%dma_wait3A_299, %dma_wait3A_300] : memref<10240x128xf32, #tpu.memory_space<hbm>> -> memref<32x128xf32, #tpu.memory_space<hbm>>
          tpu.wait_dma2 semaphore(%arg21 : memref<!tpu.dma_semaphore, #tpu.memory_space<semaphore_mem>>) src(%dma_wait3A_301 : memref<32x128xf32, #tpu.memory_space<hbm>>) dst(%arg7 : memref<32x128xf32, #tpu.memory_space<vmem>>)
          %dma_wait3A_302 = arith.constant 0 : i32
          %dma_wait3A_303 = tpu.memref_slice %arg3[%dma_wait3A_302] : memref<323584xi32, #tpu.memory_space<hbm>> -> memref<32xi32, #tpu.memory_space<hbm>>
          %dma_wait3A_304 = arith.constant 0 : i32
          %dma_wait3A_305 = tpu.memref_slice %arg3[%dma_wait3A_304] : memref<323584xi32, #tpu.memory_space<hbm>> -> memref<32xi32, #tpu.memory_space<hbm>>
          tpu.wait_dma2 semaphore(%arg23 : memref<!tpu.dma_semaphore, #tpu.memory_space<semaphore_mem>>) src(%dma_wait3A_305 : memref<32xi32, #tpu.memory_space<hbm>>) dst(%arg9 : memref<32xi32, #tpu.memory_space<vmem>>)
          %dma_wait3A_306 = arith.constant 0 : i32
          %dma_wait3A_307 = tpu.memref_slice %arg4[%dma_wait3A_306] : memref<323584xi32, #tpu.memory_space<hbm>> -> memref<32xi32, #tpu.memory_space<hbm>>
          %dma_wait3A_308 = arith.constant 0 : i32
          %dma_wait3A_309 = tpu.memref_slice %arg4[%dma_wait3A_308] : memref<323584xi32, #tpu.memory_space<hbm>> -> memref<32xi32, #tpu.memory_space<hbm>>
          tpu.wait_dma2 semaphore(%arg23 : memref<!tpu.dma_semaphore, #tpu.memory_space<semaphore_mem>>) src(%dma_wait3A_309 : memref<32xi32, #tpu.memory_space<hbm>>) dst(%arg13 : memref<32xi32, #tpu.memory_space<vmem>>)
        } else {
        }
        %get3A_239 = arith.constant 0 : index
        %get3A_240 = tpu.vector_load %arg9[%get3A_239] {strides = array<i32>} : memref<32xi32, #tpu.memory_space<vmem>>, vector<16xi32>,
        %get3A_241 = vector.shape_cast %get3A_240 : vector<16xi32> to vector<16xi32>
        %sub3A_242 = vector.broadcast %mul3A_0 : i32 to vector<16xi32>
        %sub3A_243 = arith.subi %get3A_241, %sub3A_242 : vector<16xi32>
        %get3A_244 = arith.constant 0 : index
        %get3A_245 = tpu.vector_load %arg13[%get3A_244] {strides = array<i32>} : memref<32xi32, #tpu.memory_space<vmem>>, vector<16xi32>,
        %get3A_246 = vector.shape_cast %get3A_245 : vector<16xi32> to vector<16xi32>
        %ge3A_247 = arith.constant 0 : i32
        %ge3A_248 = vector.broadcast %ge3A_247 : i32 to vector<16xi32>
        %ge3A_249 = arith.cmpi sge, %sub3A_243, %ge3A_248 : vector<16xi32>
        %lt3A_250 = arith.constant 5120 : i32
        %lt3A_251 = vector.broadcast %lt3A_250 : i32 to vector<16xi32>
        %lt3A_252 = arith.cmpi slt, %sub3A_243, %lt3A_251 : vector<16xi32>
        %and3A_253 = arith.andi %ge3A_249, %lt3A_252 : vector<16xi1>
        %jit3A_254 = arith.constant 0 : i32
        %broadcast_in_dim3A_255 = vector.broadcast %jit3A_254 : i32 to vector<16xi32>
        %select_n3A_256 = arith.select %and3A_253, %sub3A_243, %broadcast_in_dim3A_255 : vector<16xi1>, vector<16xi32>
        %swap3A_257 = arith.constant 0 : index
        %swap3A_258 = tpu.vector_load %arg9[%swap3A_257] {strides = array<i32>} : memref<32xi32, #tpu.memory_space<vmem>>, vector<16xi32>,
        %swap3A_259 = vector.shape_cast %swap3A_258 : vector<16xi32> to vector<16xi32>
        %swap3A_260 = vector.shape_cast %select_n3A_256 : vector<16xi32> to vector<16xi32>
        tpu.vector_store %arg9[%swap3A_257], %swap3A_260 {strides = array<i32>} : memref<32xi32, #tpu.memory_space<vmem>>, vector<16xi32>,
        %select_n3A_261 = arith.select %and3A_253, %get3A_246, %add3A_55 : vector<16xi1>, vector<16xi32>
        %swap3A_262 = arith.constant 0 : index
        %swap3A_263 = tpu.vector_load %arg13[%swap3A_262] {strides = array<i32>} : memref<32xi32, #tpu.memory_space<vmem>>, vector<16xi32>,
        %swap3A_264 = vector.shape_cast %swap3A_263 : vector<16xi32> to vector<16xi32>
        %swap3A_265 = vector.shape_cast %select_n3A_261 : vector<16xi32> to vector<16xi32>
        tpu.vector_store %arg13[%swap3A_262], %swap3A_265 {strides = array<i32>} : memref<32xi32, #tpu.memory_space<vmem>>, vector<16xi32>,
        %get3A_266 = arith.constant 16 : index
        %get3A_267 = tpu.vector_load %arg9[%get3A_266] {strides = array<i32>} : memref<32xi32, #tpu.memory_space<vmem>>, vector<16xi32>,
        %get3A_268 = vector.shape_cast %get3A_267 : vector<16xi32> to vector<16xi32>
        %sub3A_269 = vector.broadcast %mul3A_0 : i32 to vector<16xi32>
        %sub3A_270 = arith.subi %get3A_268, %sub3A_269 : vector<16xi32>
        %get3A_271 = arith.constant 16 : index
        %get3A_272 = tpu.vector_load %arg13[%get3A_271] {strides = array<i32>} : memref<32xi32, #tpu.memory_space<vmem>>, vector<16xi32>,
        %get3A_273 = vector.shape_cast %get3A_272 : vector<16xi32> to vector<16xi32>
        %ge3A_274 = arith.constant 0 : i32
        %ge3A_275 = vector.broadcast %ge3A_274 : i32 to vector<16xi32>
        %ge3A_276 = arith.cmpi sge, %sub3A_270, %ge3A_275 : vector<16xi32>
        %lt3A_277 = arith.constant 5120 : i32
        %lt3A_278 = vector.broadcast %lt3A_277 : i32 to vector<16xi32>
        %lt3A_279 = arith.cmpi slt, %sub3A_270, %lt3A_278 : vector<16xi32>
        %and3A_280 = arith.andi %ge3A_276, %lt3A_279 : vector<16xi1>
        %jit3A_281 = arith.constant 0 : i32
        %broadcast_in_dim3A_282 = vector.broadcast %jit3A_281 : i32 to vector<16xi32>
        %select_n3A_283 = arith.select %and3A_280, %sub3A_270, %broadcast_in_dim3A_282 : vector<16xi1>, vector<16xi32>
        %swap3A_284 = arith.constant 16 : index
        %swap3A_285 = tpu.vector_load %arg9[%swap3A_284] {strides = array<i32>} : memref<32xi32, #tpu.memory_space<vmem>>, vector<16xi32>,
        %swap3A_286 = vector.shape_cast %swap3A_285 : vector<16xi32> to vector<16xi32>
        %swap3A_287 = vector.shape_cast %select_n3A_283 : vector<16xi32> to vector<16xi32>
        tpu.vector_store %arg9[%swap3A_284], %swap3A_287 {strides = array<i32>} : memref<32xi32, #tpu.memory_space<vmem>>, vector<16xi32>,
        %select_n3A_288 = arith.select %and3A_280, %get3A_273, %add3A_55 : vector<16xi1>, vector<16xi32>
        %swap3A_289 = arith.constant 16 : index
        %swap3A_290 = tpu.vector_load %arg13[%swap3A_289] {strides = array<i32>} : memref<32xi32, #tpu.memory_space<vmem>>, vector<16xi32>,
        %swap3A_291 = vector.shape_cast %swap3A_290 : vector<16xi32> to vector<16xi32>
        %swap3A_292 = vector.shape_cast %select_n3A_288 : vector<16xi32> to vector<16xi32>
        tpu.vector_store %arg13[%swap3A_289], %swap3A_292 {strides = array<i32>} : memref<32xi32, #tpu.memory_space<vmem>>, vector<16xi32>,
        %dma_start3A_293 = arith.constant 0 : i32
        %dma_start3A_294 = arith.constant 0 : i32
        %dma_start3A_295 = tpu.memref_slice %arg16[%dma_start3A_293, %dma_start3A_294] : memref<5120x128xf32, #tpu.memory_space<vmem_shared>> -> memref<5120x128xf32, #tpu.memory_space<vmem_shared>>
        tpu.enqueue_indirect_dma source(%dma_start3A_295 : memref<5120x128xf32, #tpu.memory_space<vmem_shared>>) target(%arg7 : memref<32x128xf32, #tpu.memory_space<vmem>>) offsets(%arg9 : memref<32xi32, #tpu.memory_space<vmem>>) semaphore(%arg19 : memref<!tpu.dma_semaphore, #tpu.memory_space<semaphore_mem>>)
      } else {
      }
      %add3A_152 = arith.constant 2 : i32
      %add3A_153 = arith.addi %add3A_137, %add3A_152 : i32
      %lt3A_154 = arith.constant 632 : i32
      %lt3A_155 = arith.cmpi slt, %add3A_153, %lt3A_154 : i32
      %convert_element_type3A_156 = arith.extui %lt3A_155 : i1 to i32
      %cond3A_157 = arith.constant 0 : i32
      %cond3A_158 = arith.cmpi ne, %convert_element_type3A_156, %cond3A_157 : i32
      scf.if %cond3A_158 {
        %add3A_234 = arith.constant 2 : i32
        %add3A_235 = arith.addi %add3A_137, %add3A_234 : i32
        %mul3A_236 = arith.constant 32 : i32
        %mul3A_237 = arith.muli %add3A_235, %mul3A_236 : i32
        %add3A_238 = arith.addi %mul3A_53, %mul3A_237 : i32
        %dma_start3A_239 = tpu.memref_slice %arg3[%add3A_238] : memref<323584xi32, #tpu.memory_space<hbm>> -> memref<32xi32, #tpu.memory_space<hbm>>
        %dma_start3A_240 = tpu.memref_slice %arg3[%add3A_238] : memref<323584xi32, #tpu.memory_space<hbm>> -> memref<32xi32, #tpu.memory_space<hbm>>
        tpu.enqueue_dma source(%dma_start3A_240 : memref<32xi32, #tpu.memory_space<hbm>>) target(%arg10 : memref<32xi32, #tpu.memory_space<vmem>>) target_semaphore(%arg24 : memref<!tpu.dma_semaphore, #tpu.memory_space<semaphore_mem>>)
        %dma_start3A_241 = tpu.memref_slice %arg4[%add3A_238] : memref<323584xi32, #tpu.memory_space<hbm>> -> memref<32xi32, #tpu.memory_space<hbm>>
        %dma_start3A_242 = tpu.memref_slice %arg4[%add3A_238] : memref<323584xi32, #tpu.memory_space<hbm>> -> memref<32xi32, #tpu.memory_space<hbm>>
        tpu.enqueue_dma source(%dma_start3A_242 : memref<32xi32, #tpu.memory_space<hbm>>) target(%arg14 : memref<32xi32, #tpu.memory_space<vmem>>) target_semaphore(%arg24 : memref<!tpu.dma_semaphore, #tpu.memory_space<semaphore_mem>>)
      } else {
      }
      %add3A_159 = arith.constant 1 : i32
      %add3A_160 = arith.addi %mul3A_135, %add3A_159 : i32
      %dma_wait3A_161 = arith.constant 0 : i32
      %dma_wait3A_162 = arith.constant 0 : i32
      %dma_wait3A_163 = tpu.memref_slice %arg2[%dma_wait3A_161, %dma_wait3A_162] : memref<10240x128xf32, #tpu.memory_space<hbm>> -> memref<32x128xf32, #tpu.memory_space<hbm>>
      %dma_wait3A_164 = arith.constant 0 : i32
      %dma_wait3A_165 = arith.constant 0 : i32
      %dma_wait3A_166 = tpu.memref_slice %arg2[%dma_wait3A_164, %dma_wait3A_165] : memref<10240x128xf32, #tpu.memory_space<hbm>> -> memref<32x128xf32, #tpu.memory_space<hbm>>
      tpu.wait_dma2 semaphore(%arg19 : memref<!tpu.dma_semaphore, #tpu.memory_space<semaphore_mem>>) src(%dma_wait3A_166 : memref<32x128xf32, #tpu.memory_space<hbm>>) dst(%arg7 : memref<32x128xf32, #tpu.memory_space<vmem>>)
      %dma_start3A_167 = arith.constant 0 : i32
      %dma_start3A_168 = arith.constant 0 : i32
      %dma_start3A_169 = tpu.memref_slice %arg17[%dma_start3A_167, %dma_start3A_168] : memref<10112x128xf32, #tpu.memory_space<vmem_shared>> -> memref<10112x128xf32, #tpu.memory_space<vmem_shared>>
      tpu.enqueue_indirect_dma source(%arg7 : memref<32x128xf32, #tpu.memory_space<vmem>>) target(%dma_start3A_169 : memref<10112x128xf32, #tpu.memory_space<vmem_shared>>) offsets(%arg13 : memref<32xi32, #tpu.memory_space<vmem>>) semaphore(%arg21 : memref<!tpu.dma_semaphore, #tpu.memory_space<semaphore_mem>>) {add = true}
      %add3A_170 = arith.constant 1 : i32
      %add3A_171 = arith.addi %add3A_160, %add3A_170 : i32
      %lt3A_172 = arith.constant 632 : i32
      %lt3A_173 = arith.cmpi slt, %add3A_171, %lt3A_172 : i32
      %convert_element_type3A_174 = arith.extui %lt3A_173 : i1 to i32
      %cond3A_175 = arith.constant 0 : i32
      %cond3A_176 = arith.cmpi ne, %convert_element_type3A_174, %cond3A_175 : i32
      scf.if %cond3A_176 {
        %ge3A_234 = arith.constant 1 : i32
        %ge3A_235 = arith.cmpi sge, %add3A_160, %ge3A_234 : i32
        %convert_element_type3A_236 = arith.extui %ge3A_235 : i1 to i32
        %cond3A_237 = arith.constant 0 : i32
        %cond3A_238 = arith.cmpi ne, %convert_element_type3A_236, %cond3A_237 : i32
        scf.if %cond3A_238 {
          %dma_wait3A_296 = arith.constant 0 : i32
          %dma_wait3A_297 = arith.constant 0 : i32
          %dma_wait3A_298 = tpu.memref_slice %arg2[%dma_wait3A_296, %dma_wait3A_297] : memref<10240x128xf32, #tpu.memory_space<hbm>> -> memref<32x128xf32, #tpu.memory_space<hbm>>
          %dma_wait3A_299 = arith.constant 0 : i32
          %dma_wait3A_300 = arith.constant 0 : i32
          %dma_wait3A_301 = tpu.memref_slice %arg2[%dma_wait3A_299, %dma_wait3A_300] : memref<10240x128xf32, #tpu.memory_space<hbm>> -> memref<32x128xf32, #tpu.memory_space<hbm>>
          tpu.wait_dma2 semaphore(%arg20 : memref<!tpu.dma_semaphore, #tpu.memory_space<semaphore_mem>>) src(%dma_wait3A_301 : memref<32x128xf32, #tpu.memory_space<hbm>>) dst(%arg6 : memref<32x128xf32, #tpu.memory_space<vmem>>)
          %dma_wait3A_302 = arith.constant 0 : i32
          %dma_wait3A_303 = tpu.memref_slice %arg3[%dma_wait3A_302] : memref<323584xi32, #tpu.memory_space<hbm>> -> memref<32xi32, #tpu.memory_space<hbm>>
          %dma_wait3A_304 = arith.constant 0 : i32
          %dma_wait3A_305 = tpu.memref_slice %arg3[%dma_wait3A_304] : memref<323584xi32, #tpu.memory_space<hbm>> -> memref<32xi32, #tpu.memory_space<hbm>>
          tpu.wait_dma2 semaphore(%arg24 : memref<!tpu.dma_semaphore, #tpu.memory_space<semaphore_mem>>) src(%dma_wait3A_305 : memref<32xi32, #tpu.memory_space<hbm>>) dst(%arg10 : memref<32xi32, #tpu.memory_space<vmem>>)
          %dma_wait3A_306 = arith.constant 0 : i32
          %dma_wait3A_307 = tpu.memref_slice %arg4[%dma_wait3A_306] : memref<323584xi32, #tpu.memory_space<hbm>> -> memref<32xi32, #tpu.memory_space<hbm>>
          %dma_wait3A_308 = arith.constant 0 : i32
          %dma_wait3A_309 = tpu.memref_slice %arg4[%dma_wait3A_308] : memref<323584xi32, #tpu.memory_space<hbm>> -> memref<32xi32, #tpu.memory_space<hbm>>
          tpu.wait_dma2 semaphore(%arg24 : memref<!tpu.dma_semaphore, #tpu.memory_space<semaphore_mem>>) src(%dma_wait3A_309 : memref<32xi32, #tpu.memory_space<hbm>>) dst(%arg14 : memref<32xi32, #tpu.memory_space<vmem>>)
        } else {
        }
        %get3A_239 = arith.constant 0 : index
        %get3A_240 = tpu.vector_load %arg10[%get3A_239] {strides = array<i32>} : memref<32xi32, #tpu.memory_space<vmem>>, vector<16xi32>,
        %get3A_241 = vector.shape_cast %get3A_240 : vector<16xi32> to vector<16xi32>
        %sub3A_242 = vector.broadcast %mul3A_0 : i32 to vector<16xi32>
        %sub3A_243 = arith.subi %get3A_241, %sub3A_242 : vector<16xi32>
        %get3A_244 = arith.constant 0 : index
        %get3A_245 = tpu.vector_load %arg14[%get3A_244] {strides = array<i32>} : memref<32xi32, #tpu.memory_space<vmem>>, vector<16xi32>,
        %get3A_246 = vector.shape_cast %get3A_245 : vector<16xi32> to vector<16xi32>
        %ge3A_247 = arith.constant 0 : i32
        %ge3A_248 = vector.broadcast %ge3A_247 : i32 to vector<16xi32>
        %ge3A_249 = arith.cmpi sge, %sub3A_243, %ge3A_248 : vector<16xi32>
        %lt3A_250 = arith.constant 5120 : i32
        %lt3A_251 = vector.broadcast %lt3A_250 : i32 to vector<16xi32>
        %lt3A_252 = arith.cmpi slt, %sub3A_243, %lt3A_251 : vector<16xi32>
        %and3A_253 = arith.andi %ge3A_249, %lt3A_252 : vector<16xi1>
        %jit3A_254 = arith.constant 0 : i32
        %broadcast_in_dim3A_255 = vector.broadcast %jit3A_254 : i32 to vector<16xi32>
        %select_n3A_256 = arith.select %and3A_253, %sub3A_243, %broadcast_in_dim3A_255 : vector<16xi1>, vector<16xi32>
        %swap3A_257 = arith.constant 0 : index
        %swap3A_258 = tpu.vector_load %arg10[%swap3A_257] {strides = array<i32>} : memref<32xi32, #tpu.memory_space<vmem>>, vector<16xi32>,
        %swap3A_259 = vector.shape_cast %swap3A_258 : vector<16xi32> to vector<16xi32>
        %swap3A_260 = vector.shape_cast %select_n3A_256 : vector<16xi32> to vector<16xi32>
        tpu.vector_store %arg10[%swap3A_257], %swap3A_260 {strides = array<i32>} : memref<32xi32, #tpu.memory_space<vmem>>, vector<16xi32>,
        %select_n3A_261 = arith.select %and3A_253, %get3A_246, %add3A_55 : vector<16xi1>, vector<16xi32>
        %swap3A_262 = arith.constant 0 : index
        %swap3A_263 = tpu.vector_load %arg14[%swap3A_262] {strides = array<i32>} : memref<32xi32, #tpu.memory_space<vmem>>, vector<16xi32>,
        %swap3A_264 = vector.shape_cast %swap3A_263 : vector<16xi32> to vector<16xi32>
        %swap3A_265 = vector.shape_cast %select_n3A_261 : vector<16xi32> to vector<16xi32>
        tpu.vector_store %arg14[%swap3A_262], %swap3A_265 {strides = array<i32>} : memref<32xi32, #tpu.memory_space<vmem>>, vector<16xi32>,
        %get3A_266 = arith.constant 16 : index
        %get3A_267 = tpu.vector_load %arg10[%get3A_266] {strides = array<i32>} : memref<32xi32, #tpu.memory_space<vmem>>, vector<16xi32>,
        %get3A_268 = vector.shape_cast %get3A_267 : vector<16xi32> to vector<16xi32>
        %sub3A_269 = vector.broadcast %mul3A_0 : i32 to vector<16xi32>
        %sub3A_270 = arith.subi %get3A_268, %sub3A_269 : vector<16xi32>
        %get3A_271 = arith.constant 16 : index
        %get3A_272 = tpu.vector_load %arg14[%get3A_271] {strides = array<i32>} : memref<32xi32, #tpu.memory_space<vmem>>, vector<16xi32>,
        %get3A_273 = vector.shape_cast %get3A_272 : vector<16xi32> to vector<16xi32>
        %ge3A_274 = arith.constant 0 : i32
        %ge3A_275 = vector.broadcast %ge3A_274 : i32 to vector<16xi32>
        %ge3A_276 = arith.cmpi sge, %sub3A_270, %ge3A_275 : vector<16xi32>
        %lt3A_277 = arith.constant 5120 : i32
        %lt3A_278 = vector.broadcast %lt3A_277 : i32 to vector<16xi32>
        %lt3A_279 = arith.cmpi slt, %sub3A_270, %lt3A_278 : vector<16xi32>
        %and3A_280 = arith.andi %ge3A_276, %lt3A_279 : vector<16xi1>
        %jit3A_281 = arith.constant 0 : i32
        %broadcast_in_dim3A_282 = vector.broadcast %jit3A_281 : i32 to vector<16xi32>
        %select_n3A_283 = arith.select %and3A_280, %sub3A_270, %broadcast_in_dim3A_282 : vector<16xi1>, vector<16xi32>
        %swap3A_284 = arith.constant 16 : index
        %swap3A_285 = tpu.vector_load %arg10[%swap3A_284] {strides = array<i32>} : memref<32xi32, #tpu.memory_space<vmem>>, vector<16xi32>,
        %swap3A_286 = vector.shape_cast %swap3A_285 : vector<16xi32> to vector<16xi32>
        %swap3A_287 = vector.shape_cast %select_n3A_283 : vector<16xi32> to vector<16xi32>
        tpu.vector_store %arg10[%swap3A_284], %swap3A_287 {strides = array<i32>} : memref<32xi32, #tpu.memory_space<vmem>>, vector<16xi32>,
        %select_n3A_288 = arith.select %and3A_280, %get3A_273, %add3A_55 : vector<16xi1>, vector<16xi32>
        %swap3A_289 = arith.constant 16 : index
        %swap3A_290 = tpu.vector_load %arg14[%swap3A_289] {strides = array<i32>} : memref<32xi32, #tpu.memory_space<vmem>>, vector<16xi32>,
        %swap3A_291 = vector.shape_cast %swap3A_290 : vector<16xi32> to vector<16xi32>
        %swap3A_292 = vector.shape_cast %select_n3A_288 : vector<16xi32> to vector<16xi32>
        tpu.vector_store %arg14[%swap3A_289], %swap3A_292 {strides = array<i32>} : memref<32xi32, #tpu.memory_space<vmem>>, vector<16xi32>,
        %dma_start3A_293 = arith.constant 0 : i32
        %dma_start3A_294 = arith.constant 0 : i32
        %dma_start3A_295 = tpu.memref_slice %arg16[%dma_start3A_293, %dma_start3A_294] : memref<5120x128xf32, #tpu.memory_space<vmem_shared>> -> memref<5120x128xf32, #tpu.memory_space<vmem_shared>>
        tpu.enqueue_indirect_dma source(%dma_start3A_295 : memref<5120x128xf32, #tpu.memory_space<vmem_shared>>) target(%arg6 : memref<32x128xf32, #tpu.memory_space<vmem>>) offsets(%arg10 : memref<32xi32, #tpu.memory_space<vmem>>) semaphore(%arg18 : memref<!tpu.dma_semaphore, #tpu.memory_space<semaphore_mem>>)
      } else {
      }
      %add3A_177 = arith.constant 2 : i32
      %add3A_178 = arith.addi %add3A_160, %add3A_177 : i32
      %lt3A_179 = arith.constant 632 : i32
      %lt3A_180 = arith.cmpi slt, %add3A_178, %lt3A_179 : i32
      %convert_element_type3A_181 = arith.extui %lt3A_180 : i1 to i32
      %cond3A_182 = arith.constant 0 : i32
      %cond3A_183 = arith.cmpi ne, %convert_element_type3A_181, %cond3A_182 : i32
      scf.if %cond3A_183 {
        %add3A_234 = arith.constant 2 : i32
        %add3A_235 = arith.addi %add3A_160, %add3A_234 : i32
        %mul3A_236 = arith.constant 32 : i32
        %mul3A_237 = arith.muli %add3A_235, %mul3A_236 : i32
        %add3A_238 = arith.addi %mul3A_53, %mul3A_237 : i32
        %dma_start3A_239 = tpu.memref_slice %arg3[%add3A_238] : memref<323584xi32, #tpu.memory_space<hbm>> -> memref<32xi32, #tpu.memory_space<hbm>>
        %dma_start3A_240 = tpu.memref_slice %arg3[%add3A_238] : memref<323584xi32, #tpu.memory_space<hbm>> -> memref<32xi32, #tpu.memory_space<hbm>>
        tpu.enqueue_dma source(%dma_start3A_240 : memref<32xi32, #tpu.memory_space<hbm>>) target(%arg11 : memref<32xi32, #tpu.memory_space<vmem>>) target_semaphore(%arg25 : memref<!tpu.dma_semaphore, #tpu.memory_space<semaphore_mem>>)
        %dma_start3A_241 = tpu.memref_slice %arg4[%add3A_238] : memref<323584xi32, #tpu.memory_space<hbm>> -> memref<32xi32, #tpu.memory_space<hbm>>
        %dma_start3A_242 = tpu.memref_slice %arg4[%add3A_238] : memref<323584xi32, #tpu.memory_space<hbm>> -> memref<32xi32, #tpu.memory_space<hbm>>
        tpu.enqueue_dma source(%dma_start3A_242 : memref<32xi32, #tpu.memory_space<hbm>>) target(%arg15 : memref<32xi32, #tpu.memory_space<vmem>>) target_semaphore(%arg25 : memref<!tpu.dma_semaphore, #tpu.memory_space<semaphore_mem>>)
      } else {
      }
      %add3A_184 = arith.constant 2 : i32
      %add3A_185 = arith.addi %mul3A_135, %add3A_184 : i32
      %dma_wait3A_186 = arith.constant 0 : i32
      %dma_wait3A_187 = arith.constant 0 : i32
      %dma_wait3A_188 = tpu.memref_slice %arg2[%dma_wait3A_186, %dma_wait3A_187] : memref<10240x128xf32, #tpu.memory_space<hbm>> -> memref<32x128xf32, #tpu.memory_space<hbm>>
      %dma_wait3A_189 = arith.constant 0 : i32
      %dma_wait3A_190 = arith.constant 0 : i32
      %dma_wait3A_191 = tpu.memref_slice %arg2[%dma_wait3A_189, %dma_wait3A_190] : memref<10240x128xf32, #tpu.memory_space<hbm>> -> memref<32x128xf32, #tpu.memory_space<hbm>>
      tpu.wait_dma2 semaphore(%arg18 : memref<!tpu.dma_semaphore, #tpu.memory_space<semaphore_mem>>) src(%dma_wait3A_191 : memref<32x128xf32, #tpu.memory_space<hbm>>) dst(%arg6 : memref<32x128xf32, #tpu.memory_space<vmem>>)
      %dma_start3A_192 = arith.constant 0 : i32
      %dma_start3A_193 = arith.constant 0 : i32
      %dma_start3A_194 = tpu.memref_slice %arg17[%dma_start3A_192, %dma_start3A_193] : memref<10112x128xf32, #tpu.memory_space<vmem_shared>> -> memref<10112x128xf32, #tpu.memory_space<vmem_shared>>
      tpu.enqueue_indirect_dma source(%arg6 : memref<32x128xf32, #tpu.memory_space<vmem>>) target(%dma_start3A_194 : memref<10112x128xf32, #tpu.memory_space<vmem_shared>>) offsets(%arg14 : memref<32xi32, #tpu.memory_space<vmem>>) semaphore(%arg20 : memref<!tpu.dma_semaphore, #tpu.memory_space<semaphore_mem>>) {add = true}
      %add3A_195 = arith.constant 1 : i32
      %add3A_196 = arith.addi %add3A_185, %add3A_195 : i32
      %lt3A_197 = arith.constant 632 : i32
      %lt3A_198 = arith.cmpi slt, %add3A_196, %lt3A_197 : i32
      %convert_element_type3A_199 = arith.extui %lt3A_198 : i1 to i32
      %cond3A_200 = arith.constant 0 : i32
      %cond3A_201 = arith.cmpi ne, %convert_element_type3A_199, %cond3A_200 : i32
      scf.if %cond3A_201 {
        %ge3A_234 = arith.constant 1 : i32
        %ge3A_235 = arith.cmpi sge, %add3A_185, %ge3A_234 : i32
        %convert_element_type3A_236 = arith.extui %ge3A_235 : i1 to i32
        %cond3A_237 = arith.constant 0 : i32
        %cond3A_238 = arith.cmpi ne, %convert_element_type3A_236, %cond3A_237 : i32
        scf.if %cond3A_238 {
          %dma_wait3A_296 = arith.constant 0 : i32
          %dma_wait3A_297 = arith.constant 0 : i32
          %dma_wait3A_298 = tpu.memref_slice %arg2[%dma_wait3A_296, %dma_wait3A_297] : memref<10240x128xf32, #tpu.memory_space<hbm>> -> memref<32x128xf32, #tpu.memory_space<hbm>>
          %dma_wait3A_299 = arith.constant 0 : i32
          %dma_wait3A_300 = arith.constant 0 : i32
          %dma_wait3A_301 = tpu.memref_slice %arg2[%dma_wait3A_299, %dma_wait3A_300] : memref<10240x128xf32, #tpu.memory_space<hbm>> -> memref<32x128xf32, #tpu.memory_space<hbm>>
          tpu.wait_dma2 semaphore(%arg21 : memref<!tpu.dma_semaphore, #tpu.memory_space<semaphore_mem>>) src(%dma_wait3A_301 : memref<32x128xf32, #tpu.memory_space<hbm>>) dst(%arg7 : memref<32x128xf32, #tpu.memory_space<vmem>>)
          %dma_wait3A_302 = arith.constant 0 : i32
          %dma_wait3A_303 = tpu.memref_slice %arg3[%dma_wait3A_302] : memref<323584xi32, #tpu.memory_space<hbm>> -> memref<32xi32, #tpu.memory_space<hbm>>
          %dma_wait3A_304 = arith.constant 0 : i32
          %dma_wait3A_305 = tpu.memref_slice %arg3[%dma_wait3A_304] : memref<323584xi32, #tpu.memory_space<hbm>> -> memref<32xi32, #tpu.memory_space<hbm>>
          tpu.wait_dma2 semaphore(%arg25 : memref<!tpu.dma_semaphore, #tpu.memory_space<semaphore_mem>>) src(%dma_wait3A_305 : memref<32xi32, #tpu.memory_space<hbm>>) dst(%arg11 : memref<32xi32, #tpu.memory_space<vmem>>)
          %dma_wait3A_306 = arith.constant 0 : i32
          %dma_wait3A_307 = tpu.memref_slice %arg4[%dma_wait3A_306] : memref<323584xi32, #tpu.memory_space<hbm>> -> memref<32xi32, #tpu.memory_space<hbm>>
          %dma_wait3A_308 = arith.constant 0 : i32
          %dma_wait3A_309 = tpu.memref_slice %arg4[%dma_wait3A_308] : memref<323584xi32, #tpu.memory_space<hbm>> -> memref<32xi32, #tpu.memory_space<hbm>>
          tpu.wait_dma2 semaphore(%arg25 : memref<!tpu.dma_semaphore, #tpu.memory_space<semaphore_mem>>) src(%dma_wait3A_309 : memref<32xi32, #tpu.memory_space<hbm>>) dst(%arg15 : memref<32xi32, #tpu.memory_space<vmem>>)
        } else {
        }
        %get3A_239 = arith.constant 0 : index
        %get3A_240 = tpu.vector_load %arg11[%get3A_239] {strides = array<i32>} : memref<32xi32, #tpu.memory_space<vmem>>, vector<16xi32>,
        %get3A_241 = vector.shape_cast %get3A_240 : vector<16xi32> to vector<16xi32>
        %sub3A_242 = vector.broadcast %mul3A_0 : i32 to vector<16xi32>
        %sub3A_243 = arith.subi %get3A_241, %sub3A_242 : vector<16xi32>
        %get3A_244 = arith.constant 0 : index
        %get3A_245 = tpu.vector_load %arg15[%get3A_244] {strides = array<i32>} : memref<32xi32, #tpu.memory_space<vmem>>, vector<16xi32>,
        %get3A_246 = vector.shape_cast %get3A_245 : vector<16xi32> to vector<16xi32>
        %ge3A_247 = arith.constant 0 : i32
        %ge3A_248 = vector.broadcast %ge3A_247 : i32 to vector<16xi32>
        %ge3A_249 = arith.cmpi sge, %sub3A_243, %ge3A_248 : vector<16xi32>
        %lt3A_250 = arith.constant 5120 : i32
        %lt3A_251 = vector.broadcast %lt3A_250 : i32 to vector<16xi32>
        %lt3A_252 = arith.cmpi slt, %sub3A_243, %lt3A_251 : vector<16xi32>
        %and3A_253 = arith.andi %ge3A_249, %lt3A_252 : vector<16xi1>
        %jit3A_254 = arith.constant 0 : i32
        %broadcast_in_dim3A_255 = vector.broadcast %jit3A_254 : i32 to vector<16xi32>
        %select_n3A_256 = arith.select %and3A_253, %sub3A_243, %broadcast_in_dim3A_255 : vector<16xi1>, vector<16xi32>
        %swap3A_257 = arith.constant 0 : index
        %swap3A_258 = tpu.vector_load %arg11[%swap3A_257] {strides = array<i32>} : memref<32xi32, #tpu.memory_space<vmem>>, vector<16xi32>,
        %swap3A_259 = vector.shape_cast %swap3A_258 : vector<16xi32> to vector<16xi32>
        %swap3A_260 = vector.shape_cast %select_n3A_256 : vector<16xi32> to vector<16xi32>
        tpu.vector_store %arg11[%swap3A_257], %swap3A_260 {strides = array<i32>} : memref<32xi32, #tpu.memory_space<vmem>>, vector<16xi32>,
        %select_n3A_261 = arith.select %and3A_253, %get3A_246, %add3A_55 : vector<16xi1>, vector<16xi32>
        %swap3A_262 = arith.constant 0 : index
        %swap3A_263 = tpu.vector_load %arg15[%swap3A_262] {strides = array<i32>} : memref<32xi32, #tpu.memory_space<vmem>>, vector<16xi32>,
        %swap3A_264 = vector.shape_cast %swap3A_263 : vector<16xi32> to vector<16xi32>
        %swap3A_265 = vector.shape_cast %select_n3A_261 : vector<16xi32> to vector<16xi32>
        tpu.vector_store %arg15[%swap3A_262], %swap3A_265 {strides = array<i32>} : memref<32xi32, #tpu.memory_space<vmem>>, vector<16xi32>,
        %get3A_266 = arith.constant 16 : index
        %get3A_267 = tpu.vector_load %arg11[%get3A_266] {strides = array<i32>} : memref<32xi32, #tpu.memory_space<vmem>>, vector<16xi32>,
        %get3A_268 = vector.shape_cast %get3A_267 : vector<16xi32> to vector<16xi32>
        %sub3A_269 = vector.broadcast %mul3A_0 : i32 to vector<16xi32>
        %sub3A_270 = arith.subi %get3A_268, %sub3A_269 : vector<16xi32>
        %get3A_271 = arith.constant 16 : index
        %get3A_272 = tpu.vector_load %arg15[%get3A_271] {strides = array<i32>} : memref<32xi32, #tpu.memory_space<vmem>>, vector<16xi32>,
        %get3A_273 = vector.shape_cast %get3A_272 : vector<16xi32> to vector<16xi32>
        %ge3A_274 = arith.constant 0 : i32
        %ge3A_275 = vector.broadcast %ge3A_274 : i32 to vector<16xi32>
        %ge3A_276 = arith.cmpi sge, %sub3A_270, %ge3A_275 : vector<16xi32>
        %lt3A_277 = arith.constant 5120 : i32
        %lt3A_278 = vector.broadcast %lt3A_277 : i32 to vector<16xi32>
        %lt3A_279 = arith.cmpi slt, %sub3A_270, %lt3A_278 : vector<16xi32>
        %and3A_280 = arith.andi %ge3A_276, %lt3A_279 : vector<16xi1>
        %jit3A_281 = arith.constant 0 : i32
        %broadcast_in_dim3A_282 = vector.broadcast %jit3A_281 : i32 to vector<16xi32>
        %select_n3A_283 = arith.select %and3A_280, %sub3A_270, %broadcast_in_dim3A_282 : vector<16xi1>, vector<16xi32>
        %swap3A_284 = arith.constant 16 : index
        %swap3A_285 = tpu.vector_load %arg11[%swap3A_284] {strides = array<i32>} : memref<32xi32, #tpu.memory_space<vmem>>, vector<16xi32>,
        %swap3A_286 = vector.shape_cast %swap3A_285 : vector<16xi32> to vector<16xi32>
        %swap3A_287 = vector.shape_cast %select_n3A_283 : vector<16xi32> to vector<16xi32>
        tpu.vector_store %arg11[%swap3A_284], %swap3A_287 {strides = array<i32>} : memref<32xi32, #tpu.memory_space<vmem>>, vector<16xi32>,
        %select_n3A_288 = arith.select %and3A_280, %get3A_273, %add3A_55 : vector<16xi1>, vector<16xi32>
        %swap3A_289 = arith.constant 16 : index
        %swap3A_290 = tpu.vector_load %arg15[%swap3A_289] {strides = array<i32>} : memref<32xi32, #tpu.memory_space<vmem>>, vector<16xi32>,
        %swap3A_291 = vector.shape_cast %swap3A_290 : vector<16xi32> to vector<16xi32>
        %swap3A_292 = vector.shape_cast %select_n3A_288 : vector<16xi32> to vector<16xi32>
        tpu.vector_store %arg15[%swap3A_289], %swap3A_292 {strides = array<i32>} : memref<32xi32, #tpu.memory_space<vmem>>, vector<16xi32>,
        %dma_start3A_293 = arith.constant 0 : i32
        %dma_start3A_294 = arith.constant 0 : i32
        %dma_start3A_295 = tpu.memref_slice %arg16[%dma_start3A_293, %dma_start3A_294] : memref<5120x128xf32, #tpu.memory_space<vmem_shared>> -> memref<5120x128xf32, #tpu.memory_space<vmem_shared>>
        tpu.enqueue_indirect_dma source(%dma_start3A_295 : memref<5120x128xf32, #tpu.memory_space<vmem_shared>>) target(%arg7 : memref<32x128xf32, #tpu.memory_space<vmem>>) offsets(%arg11 : memref<32xi32, #tpu.memory_space<vmem>>) semaphore(%arg19 : memref<!tpu.dma_semaphore, #tpu.memory_space<semaphore_mem>>)
      } else {
      }
      %add3A_202 = arith.constant 2 : i32
      %add3A_203 = arith.addi %add3A_185, %add3A_202 : i32
      %lt3A_204 = arith.constant 632 : i32
      %lt3A_205 = arith.cmpi slt, %add3A_203, %lt3A_204 : i32
      %convert_element_type3A_206 = arith.extui %lt3A_205 : i1 to i32
      %cond3A_207 = arith.constant 0 : i32
      %cond3A_208 = arith.cmpi ne, %convert_element_type3A_206, %cond3A_207 : i32
      scf.if %cond3A_208 {
        %add3A_234 = arith.constant 2 : i32
        %add3A_235 = arith.addi %add3A_185, %add3A_234 : i32
        %mul3A_236 = arith.constant 32 : i32
        %mul3A_237 = arith.muli %add3A_235, %mul3A_236 : i32
        %add3A_238 = arith.addi %mul3A_53, %mul3A_237 : i32
        %dma_start3A_239 = tpu.memref_slice %arg3[%add3A_238] : memref<323584xi32, #tpu.memory_space<hbm>> -> memref<32xi32, #tpu.memory_space<hbm>>
        %dma_start3A_240 = tpu.memref_slice %arg3[%add3A_238] : memref<323584xi32, #tpu.memory_space<hbm>> -> memref<32xi32, #tpu.memory_space<hbm>>
        tpu.enqueue_dma source(%dma_start3A_240 : memref<32xi32, #tpu.memory_space<hbm>>) target(%arg8 : memref<32xi32, #tpu.memory_space<vmem>>) target_semaphore(%arg22 : memref<!tpu.dma_semaphore, #tpu.memory_space<semaphore_mem>>)
        %dma_start3A_241 = tpu.memref_slice %arg4[%add3A_238] : memref<323584xi32, #tpu.memory_space<hbm>> -> memref<32xi32, #tpu.memory_space<hbm>>
        %dma_start3A_242 = tpu.memref_slice %arg4[%add3A_238] : memref<323584xi32, #tpu.memory_space<hbm>> -> memref<32xi32, #tpu.memory_space<hbm>>
        tpu.enqueue_dma source(%dma_start3A_242 : memref<32xi32, #tpu.memory_space<hbm>>) target(%arg12 : memref<32xi32, #tpu.memory_space<vmem>>) target_semaphore(%arg22 : memref<!tpu.dma_semaphore, #tpu.memory_space<semaphore_mem>>)
      } else {
      }
      %add3A_209 = arith.constant 3 : i32
      %add3A_210 = arith.addi %mul3A_135, %add3A_209 : i32
      %dma_wait3A_211 = arith.constant 0 : i32
      %dma_wait3A_212 = arith.constant 0 : i32
      %dma_wait3A_213 = tpu.memref_slice %arg2[%dma_wait3A_211, %dma_wait3A_212] : memref<10240x128xf32, #tpu.memory_space<hbm>> -> memref<32x128xf32, #tpu.memory_space<hbm>>
      %dma_wait3A_214 = arith.constant 0 : i32
      %dma_wait3A_215 = arith.constant 0 : i32
      %dma_wait3A_216 = tpu.memref_slice %arg2[%dma_wait3A_214, %dma_wait3A_215] : memref<10240x128xf32, #tpu.memory_space<hbm>> -> memref<32x128xf32, #tpu.memory_space<hbm>>
      tpu.wait_dma2 semaphore(%arg19 : memref<!tpu.dma_semaphore, #tpu.memory_space<semaphore_mem>>) src(%dma_wait3A_216 : memref<32x128xf32, #tpu.memory_space<hbm>>) dst(%arg7 : memref<32x128xf32, #tpu.memory_space<vmem>>)
      %dma_start3A_217 = arith.constant 0 : i32
      %dma_start3A_218 = arith.constant 0 : i32
      %dma_start3A_219 = tpu.memref_slice %arg17[%dma_start3A_217, %dma_start3A_218] : memref<10112x128xf32, #tpu.memory_space<vmem_shared>> -> memref<10112x128xf32, #tpu.memory_space<vmem_shared>>
      tpu.enqueue_indirect_dma source(%arg7 : memref<32x128xf32, #tpu.memory_space<vmem>>) target(%dma_start3A_219 : memref<10112x128xf32, #tpu.memory_space<vmem_shared>>) offsets(%arg15 : memref<32xi32, #tpu.memory_space<vmem>>) semaphore(%arg21 : memref<!tpu.dma_semaphore, #tpu.memory_space<semaphore_mem>>) {add = true}
      %add3A_220 = arith.constant 1 : i32
      %add3A_221 = arith.addi %add3A_210, %add3A_220 : i32
      %lt3A_222 = arith.constant 632 : i32
      %lt3A_223 = arith.cmpi slt, %add3A_221, %lt3A_222 : i32
      %convert_element_type3A_224 = arith.extui %lt3A_223 : i1 to i32
      %cond3A_225 = arith.constant 0 : i32
      %cond3A_226 = arith.cmpi ne, %convert_element_type3A_224, %cond3A_225 : i32
      scf.if %cond3A_226 {
        %ge3A_234 = arith.constant 1 : i32
        %ge3A_235 = arith.cmpi sge, %add3A_210, %ge3A_234 : i32
        %convert_element_type3A_236 = arith.extui %ge3A_235 : i1 to i32
        %cond3A_237 = arith.constant 0 : i32
        %cond3A_238 = arith.cmpi ne, %convert_element_type3A_236, %cond3A_237 : i32
        scf.if %cond3A_238 {
          %dma_wait3A_296 = arith.constant 0 : i32
          %dma_wait3A_297 = arith.constant 0 : i32
          %dma_wait3A_298 = tpu.memref_slice %arg2[%dma_wait3A_296, %dma_wait3A_297] : memref<10240x128xf32, #tpu.memory_space<hbm>> -> memref<32x128xf32, #tpu.memory_space<hbm>>
          %dma_wait3A_299 = arith.constant 0 : i32
          %dma_wait3A_300 = arith.constant 0 : i32
          %dma_wait3A_301 = tpu.memref_slice %arg2[%dma_wait3A_299, %dma_wait3A_300] : memref<10240x128xf32, #tpu.memory_space<hbm>> -> memref<32x128xf32, #tpu.memory_space<hbm>>
          tpu.wait_dma2 semaphore(%arg20 : memref<!tpu.dma_semaphore, #tpu.memory_space<semaphore_mem>>) src(%dma_wait3A_301 : memref<32x128xf32, #tpu.memory_space<hbm>>) dst(%arg6 : memref<32x128xf32, #tpu.memory_space<vmem>>)
          %dma_wait3A_302 = arith.constant 0 : i32
          %dma_wait3A_303 = tpu.memref_slice %arg3[%dma_wait3A_302] : memref<323584xi32, #tpu.memory_space<hbm>> -> memref<32xi32, #tpu.memory_space<hbm>>
          %dma_wait3A_304 = arith.constant 0 : i32
          %dma_wait3A_305 = tpu.memref_slice %arg3[%dma_wait3A_304] : memref<323584xi32, #tpu.memory_space<hbm>> -> memref<32xi32, #tpu.memory_space<hbm>>
          tpu.wait_dma2 semaphore(%arg22 : memref<!tpu.dma_semaphore, #tpu.memory_space<semaphore_mem>>) src(%dma_wait3A_305 : memref<32xi32, #tpu.memory_space<hbm>>) dst(%arg8 : memref<32xi32, #tpu.memory_space<vmem>>)
          %dma_wait3A_306 = arith.constant 0 : i32
          %dma_wait3A_307 = tpu.memref_slice %arg4[%dma_wait3A_306] : memref<323584xi32, #tpu.memory_space<hbm>> -> memref<32xi32, #tpu.memory_space<hbm>>
          %dma_wait3A_308 = arith.constant 0 : i32
          %dma_wait3A_309 = tpu.memref_slice %arg4[%dma_wait3A_308] : memref<323584xi32, #tpu.memory_space<hbm>> -> memref<32xi32, #tpu.memory_space<hbm>>
          tpu.wait_dma2 semaphore(%arg22 : memref<!tpu.dma_semaphore, #tpu.memory_space<semaphore_mem>>) src(%dma_wait3A_309 : memref<32xi32, #tpu.memory_space<hbm>>) dst(%arg12 : memref<32xi32, #tpu.memory_space<vmem>>)
        } else {
        }
        %get3A_239 = arith.constant 0 : index
        %get3A_240 = tpu.vector_load %arg8[%get3A_239] {strides = array<i32>} : memref<32xi32, #tpu.memory_space<vmem>>, vector<16xi32>,
        %get3A_241 = vector.shape_cast %get3A_240 : vector<16xi32> to vector<16xi32>
        %sub3A_242 = vector.broadcast %mul3A_0 : i32 to vector<16xi32>
        %sub3A_243 = arith.subi %get3A_241, %sub3A_242 : vector<16xi32>
        %get3A_244 = arith.constant 0 : index
        %get3A_245 = tpu.vector_load %arg12[%get3A_244] {strides = array<i32>} : memref<32xi32, #tpu.memory_space<vmem>>, vector<16xi32>,
        %get3A_246 = vector.shape_cast %get3A_245 : vector<16xi32> to vector<16xi32>
        %ge3A_247 = arith.constant 0 : i32
        %ge3A_248 = vector.broadcast %ge3A_247 : i32 to vector<16xi32>
        %ge3A_249 = arith.cmpi sge, %sub3A_243, %ge3A_248 : vector<16xi32>
        %lt3A_250 = arith.constant 5120 : i32
        %lt3A_251 = vector.broadcast %lt3A_250 : i32 to vector<16xi32>
        %lt3A_252 = arith.cmpi slt, %sub3A_243, %lt3A_251 : vector<16xi32>
        %and3A_253 = arith.andi %ge3A_249, %lt3A_252 : vector<16xi1>
        %jit3A_254 = arith.constant 0 : i32
        %broadcast_in_dim3A_255 = vector.broadcast %jit3A_254 : i32 to vector<16xi32>
        %select_n3A_256 = arith.select %and3A_253, %sub3A_243, %broadcast_in_dim3A_255 : vector<16xi1>, vector<16xi32>
        %swap3A_257 = arith.constant 0 : index
        %swap3A_258 = tpu.vector_load %arg8[%swap3A_257] {strides = array<i32>} : memref<32xi32, #tpu.memory_space<vmem>>, vector<16xi32>,
        %swap3A_259 = vector.shape_cast %swap3A_258 : vector<16xi32> to vector<16xi32>
        %swap3A_260 = vector.shape_cast %select_n3A_256 : vector<16xi32> to vector<16xi32>
        tpu.vector_store %arg8[%swap3A_257], %swap3A_260 {strides = array<i32>} : memref<32xi32, #tpu.memory_space<vmem>>, vector<16xi32>,
        %select_n3A_261 = arith.select %and3A_253, %get3A_246, %add3A_55 : vector<16xi1>, vector<16xi32>
        %swap3A_262 = arith.constant 0 : index
        %swap3A_263 = tpu.vector_load %arg12[%swap3A_262] {strides = array<i32>} : memref<32xi32, #tpu.memory_space<vmem>>, vector<16xi32>,
        %swap3A_264 = vector.shape_cast %swap3A_263 : vector<16xi32> to vector<16xi32>
        %swap3A_265 = vector.shape_cast %select_n3A_261 : vector<16xi32> to vector<16xi32>
        tpu.vector_store %arg12[%swap3A_262], %swap3A_265 {strides = array<i32>} : memref<32xi32, #tpu.memory_space<vmem>>, vector<16xi32>,
        %get3A_266 = arith.constant 16 : index
        %get3A_267 = tpu.vector_load %arg8[%get3A_266] {strides = array<i32>} : memref<32xi32, #tpu.memory_space<vmem>>, vector<16xi32>,
        %get3A_268 = vector.shape_cast %get3A_267 : vector<16xi32> to vector<16xi32>
        %sub3A_269 = vector.broadcast %mul3A_0 : i32 to vector<16xi32>
        %sub3A_270 = arith.subi %get3A_268, %sub3A_269 : vector<16xi32>
        %get3A_271 = arith.constant 16 : index
        %get3A_272 = tpu.vector_load %arg12[%get3A_271] {strides = array<i32>} : memref<32xi32, #tpu.memory_space<vmem>>, vector<16xi32>,
        %get3A_273 = vector.shape_cast %get3A_272 : vector<16xi32> to vector<16xi32>
        %ge3A_274 = arith.constant 0 : i32
        %ge3A_275 = vector.broadcast %ge3A_274 : i32 to vector<16xi32>
        %ge3A_276 = arith.cmpi sge, %sub3A_270, %ge3A_275 : vector<16xi32>
        %lt3A_277 = arith.constant 5120 : i32
        %lt3A_278 = vector.broadcast %lt3A_277 : i32 to vector<16xi32>
        %lt3A_279 = arith.cmpi slt, %sub3A_270, %lt3A_278 : vector<16xi32>
        %and3A_280 = arith.andi %ge3A_276, %lt3A_279 : vector<16xi1>
        %jit3A_281 = arith.constant 0 : i32
        %broadcast_in_dim3A_282 = vector.broadcast %jit3A_281 : i32 to vector<16xi32>
        %select_n3A_283 = arith.select %and3A_280, %sub3A_270, %broadcast_in_dim3A_282 : vector<16xi1>, vector<16xi32>
        %swap3A_284 = arith.constant 16 : index
        %swap3A_285 = tpu.vector_load %arg8[%swap3A_284] {strides = array<i32>} : memref<32xi32, #tpu.memory_space<vmem>>, vector<16xi32>,
        %swap3A_286 = vector.shape_cast %swap3A_285 : vector<16xi32> to vector<16xi32>
        %swap3A_287 = vector.shape_cast %select_n3A_283 : vector<16xi32> to vector<16xi32>
        tpu.vector_store %arg8[%swap3A_284], %swap3A_287 {strides = array<i32>} : memref<32xi32, #tpu.memory_space<vmem>>, vector<16xi32>,
        %select_n3A_288 = arith.select %and3A_280, %get3A_273, %add3A_55 : vector<16xi1>, vector<16xi32>
        %swap3A_289 = arith.constant 16 : index
        %swap3A_290 = tpu.vector_load %arg12[%swap3A_289] {strides = array<i32>} : memref<32xi32, #tpu.memory_space<vmem>>, vector<16xi32>,
        %swap3A_291 = vector.shape_cast %swap3A_290 : vector<16xi32> to vector<16xi32>
        %swap3A_292 = vector.shape_cast %select_n3A_288 : vector<16xi32> to vector<16xi32>
        tpu.vector_store %arg12[%swap3A_289], %swap3A_292 {strides = array<i32>} : memref<32xi32, #tpu.memory_space<vmem>>, vector<16xi32>,
        %dma_start3A_293 = arith.constant 0 : i32
        %dma_start3A_294 = arith.constant 0 : i32
        %dma_start3A_295 = tpu.memref_slice %arg16[%dma_start3A_293, %dma_start3A_294] : memref<5120x128xf32, #tpu.memory_space<vmem_shared>> -> memref<5120x128xf32, #tpu.memory_space<vmem_shared>>
        tpu.enqueue_indirect_dma source(%dma_start3A_295 : memref<5120x128xf32, #tpu.memory_space<vmem_shared>>) target(%arg6 : memref<32x128xf32, #tpu.memory_space<vmem>>) offsets(%arg8 : memref<32xi32, #tpu.memory_space<vmem>>) semaphore(%arg18 : memref<!tpu.dma_semaphore, #tpu.memory_space<semaphore_mem>>)
      } else {
      }
      %add3A_227 = arith.constant 2 : i32
      %add3A_228 = arith.addi %add3A_210, %add3A_227 : i32
      %lt3A_229 = arith.constant 632 : i32
      %lt3A_230 = arith.cmpi slt, %add3A_228, %lt3A_229 : i32
      %convert_element_type3A_231 = arith.extui %lt3A_230 : i1 to i32
      %cond3A_232 = arith.constant 0 : i32
      %cond3A_233 = arith.cmpi ne, %convert_element_type3A_231, %cond3A_232 : i32
      scf.if %cond3A_233 {
        %add3A_234 = arith.constant 2 : i32
        %add3A_235 = arith.addi %add3A_210, %add3A_234 : i32
        %mul3A_236 = arith.constant 32 : i32
        %mul3A_237 = arith.muli %add3A_235, %mul3A_236 : i32
        %add3A_238 = arith.addi %mul3A_53, %mul3A_237 : i32
        %dma_start3A_239 = tpu.memref_slice %arg3[%add3A_238] : memref<323584xi32, #tpu.memory_space<hbm>> -> memref<32xi32, #tpu.memory_space<hbm>>
        %dma_start3A_240 = tpu.memref_slice %arg3[%add3A_238] : memref<323584xi32, #tpu.memory_space<hbm>> -> memref<32xi32, #tpu.memory_space<hbm>>
        tpu.enqueue_dma source(%dma_start3A_240 : memref<32xi32, #tpu.memory_space<hbm>>) target(%arg9 : memref<32xi32, #tpu.memory_space<vmem>>) target_semaphore(%arg23 : memref<!tpu.dma_semaphore, #tpu.memory_space<semaphore_mem>>)
        %dma_start3A_241 = tpu.memref_slice %arg4[%add3A_238] : memref<323584xi32, #tpu.memory_space<hbm>> -> memref<32xi32, #tpu.memory_space<hbm>>
        %dma_start3A_242 = tpu.memref_slice %arg4[%add3A_238] : memref<323584xi32, #tpu.memory_space<hbm>> -> memref<32xi32, #tpu.memory_space<hbm>>
        tpu.enqueue_dma source(%dma_start3A_242 : memref<32xi32, #tpu.memory_space<hbm>>) target(%arg13 : memref<32xi32, #tpu.memory_space<vmem>>) target_semaphore(%arg23 : memref<!tpu.dma_semaphore, #tpu.memory_space<semaphore_mem>>)
      } else {
      }
    }
    %scan3A_117 = arith.constant 158 : i32
    %dma_wait3A = arith.constant 0 : i32
    %dma_wait3A_118 = arith.constant 0 : i32
    %dma_wait3A_119 = tpu.memref_slice %arg2[%dma_wait3A, %dma_wait3A_118] : memref<10240x128xf32, #tpu.memory_space<hbm>> -> memref<32x128xf32, #tpu.memory_space<hbm>>
    %dma_wait3A_120 = arith.constant 0 : i32
    %dma_wait3A_121 = arith.constant 0 : i32
    %dma_wait3A_122 = tpu.memref_slice %arg2[%dma_wait3A_120, %dma_wait3A_121] : memref<10240x128xf32, #tpu.memory_space<hbm>> -> memref<32x128xf32, #tpu.memory_space<hbm>>
    tpu.wait_dma2 semaphore(%arg20 : memref<!tpu.dma_semaphore, #tpu.memory_space<semaphore_mem>>) src(%dma_wait3A_122 : memref<32x128xf32, #tpu.memory_space<hbm>>) dst(%arg6 : memref<32x128xf32, #tpu.memory_space<vmem>>)
    %dma_wait3A_123 = arith.constant 0 : i32
    %dma_wait3A_124 = arith.constant 0 : i32
    %dma_wait3A_125 = tpu.memref_slice %arg2[%dma_wait3A_123, %dma_wait3A_124] : memref<10240x128xf32, #tpu.memory_space<hbm>> -> memref<32x128xf32, #tpu.memory_space<hbm>>
    %dma_wait3A_126 = arith.constant 0 : i32
    %dma_wait3A_127 = arith.constant 0 : i32
    %dma_wait3A_128 = tpu.memref_slice %arg2[%dma_wait3A_126, %dma_wait3A_127] : memref<10240x128xf32, #tpu.memory_space<hbm>> -> memref<32x128xf32, #tpu.memory_space<hbm>>
    tpu.wait_dma2 semaphore(%arg21 : memref<!tpu.dma_semaphore, #tpu.memory_space<semaphore_mem>>) src(%dma_wait3A_128 : memref<32x128xf32, #tpu.memory_space<hbm>>) dst(%arg7 : memref<32x128xf32, #tpu.memory_space<vmem>>)
    %barrier3A_129 = arith.constant 0 : index
    tpu.barrier barrier_id(%barrier3A_129)
    %mul3A_130 = arith.constant 10112 : i32
    %mul3A_131 = arith.muli %arg0, %mul3A_130 : i32
    %add3A_132 = arith.addi %mul3A_131, %mul3A_11 : i32
    "tpu.region"() ({
      %run_scoped3A = tpu.sem_alloc : memref<!tpu.dma_semaphore, #tpu.memory_space<semaphore_mem>>
      %dma_start3A_133 = arith.constant 0 : i32
      %dma_start3A_134 = tpu.memref_slice %arg5[%add3A_132, %dma_start3A_133] : memref<20224x128xf32, #tpu.memory_space<hbm>> -> memref<632x128xf32, #tpu.memory_space<hbm>>
      %dma_start3A_135 = arith.constant 0 : i32
      %dma_start3A_136 = tpu.memref_slice %arg17[%mul3A_11, %dma_start3A_135] : memref<10112x128xf32, #tpu.memory_space<vmem_shared>> -> memref<632x128xf32, #tpu.memory_space<vmem_shared>>
      tpu.enqueue_dma source(%dma_start3A_136 : memref<632x128xf32, #tpu.memory_space<vmem_shared>>) target(%dma_start3A_134 : memref<632x128xf32, #tpu.memory_space<hbm>>) target_semaphore(%run_scoped3A : memref<!tpu.dma_semaphore, #tpu.memory_space<semaphore_mem>>)
      %dma_wait3A_137 = arith.constant 0 : i32
      %dma_wait3A_138 = tpu.memref_slice %arg5[%add3A_132, %dma_wait3A_137] : memref<20224x128xf32, #tpu.memory_space<hbm>> -> memref<632x128xf32, #tpu.memory_space<hbm>>
      %dma_wait3A_139 = arith.constant 0 : i32
      %dma_wait3A_140 = tpu.memref_slice %arg17[%mul3A_11, %dma_wait3A_139] : memref<10112x128xf32, #tpu.memory_space<vmem_shared>> -> memref<632x128xf32, #tpu.memory_space<vmem_shared>>
      tpu.wait_dma2 semaphore(%run_scoped3A : memref<!tpu.dma_semaphore, #tpu.memory_space<semaphore_mem>>) src(%dma_wait3A_140 : memref<632x128xf32, #tpu.memory_space<vmem_shared>>) dst(%dma_wait3A_138 : memref<632x128xf32, #tpu.memory_space<hbm>>)
      tpu.yield
    }) : () -> ()
    return
  }
}

module attributes {stable_mosaic.version = 14 : i64} {
  func.func @body(%arg0: i32, %arg1: memref<1024x128xf32, #tpu.memory_space<vmem>>, %arg2: memref<128x128xf32, #tpu.memory_space<vmem>>, %arg3: memref<1024x128xf32, #tpu.memory_space<vmem>>) attributes {dimension_semantics = [#tpu.dimension_semantics<arbitrary>], iteration_bounds = array<i64: 10>, scalar_prefetch = 0 : i64, scratch_operands = 0 : i64, tpu.core_type = #tpu.core_type<tc>, window_params = [{transform_indices = @transform_0, window_bounds = array<i64: 1024, 128>}, {pipeline_mode = #tpu.pipeline_mode<synchronous>, transform_indices = @transform_1, window_bounds = array<i64: 128, 128>}, {transform_indices = @transform_2, window_bounds = array<i64: 1024, 128>}]} {
    %get3A = arith.constant 0 : index
    %get3A_0 = arith.constant 0 : index
    %get3A_1 = vector.load %arg1[%get3A, %get3A_0] : memref<1024x128xf32, #tpu.memory_space<vmem>>, vector<1024x128xf32>
    %get3A_2 = arith.constant 0 : index
    %get3A_3 = arith.constant 0 : index
    %get3A_4 = vector.load %arg2[%get3A_2, %get3A_3] : memref<128x128xf32, #tpu.memory_space<vmem>>, vector<128x128xf32>
    %dot_general3A = arith.constant dense<0.000000e+00> : vector<1024x128xf32>
    %dot_general3A_5 = tpu.matmul %get3A_1, %get3A_4, %dot_general3A {dimension_numbers = #tpu.dot_dimension_numbers<[1], [1], [0], [0], [0, 0, 1, 0], [], []>, transpose_lhs_hint = false} : vector<1024x128xf32>, vector<128x128xf32>, vector<1024x128xf32> -> vector<1024x128xf32>
    %swap3A = arith.constant 0 : index
    %swap3A_6 = arith.constant 0 : index
    %swap3A_7 = vector.load %arg3[%swap3A, %swap3A_6] : memref<1024x128xf32, #tpu.memory_space<vmem>>, vector<1024x128xf32>
    tpu.vector_store %arg3[%swap3A, %swap3A_6], %dot_general3A_5 {strides = array<i32>} : memref<1024x128xf32, #tpu.memory_space<vmem>>, vector<1024x128xf32>,
    return
  }
  func.func @transform_0(%arg0: i32) -> (i32, i32) {
    %c0_i32 = arith.constant 0 : i32
    %c0_i32_0 = arith.constant 0 : i32
    return %arg0, %c0_i32 : i32, i32
  }
  func.func @transform_1(%arg0: i32) -> (i32, i32) {
    %c0_i32 = arith.constant 0 : i32
    %c0_i32_0 = arith.constant 0 : i32
    %c0_i32_1 = arith.constant 0 : i32
    return %c0_i32, %c0_i32_0 : i32, i32
  }
  func.func @transform_2(%arg0: i32) -> (i32, i32) {
    %c0_i32 = arith.constant 0 : i32
    %c0_i32_0 = arith.constant 0 : i32
    return %arg0, %c0_i32 : i32, i32
  }
}

module attributes {stable_mosaic.version = 14 : i64} {
  func.func @body(%arg0: i32, %arg1: memref<1024x128xf32, #tpu.memory_space<vmem>>, %arg2: memref<32x1024xf32, #tpu.memory_space<vmem>>, %arg3: memref<1024x128xf32, #tpu.memory_space<vmem>>) attributes {dimension_semantics = [#tpu.dimension_semantics<arbitrary>], iteration_bounds = array<i64: 10>, scalar_prefetch = 0 : i64, scratch_operands = 0 : i64, tpu.core_type = #tpu.core_type<tc>, window_params = [{transform_indices = @transform_0, window_bounds = array<i64: 1024, 128>}, {transform_indices = @transform_1, window_bounds = array<i64: 32, 1024>}, {transform_indices = @transform_2, window_bounds = array<i64: 1024, 128>}]} {
    %get3A = arith.constant 0 : index
    %get3A_0 = arith.constant 0 : index
    %get3A_1 = vector.load %arg2[%get3A, %get3A_0] : memref<32x1024xf32, #tpu.memory_space<vmem>>, vector<32x1024xf32>
    %reduce_sum3A = arith.constant dense<0.000000e+00> : vector<1024xf32>
    %reduce_sum3A_2 = vector.multi_reduction <add>, %get3A_1, %reduce_sum3A [0] : vector<32x1024xf32> to vector<1024xf32>
    %gt3A = arith.constant 0.000000e+00 : f32
    %gt3A_3 = vector.broadcast %gt3A : f32 to vector<1024xf32>
    %gt3A_4 = arith.cmpf ogt, %reduce_sum3A_2, %gt3A_3 : vector<1024xf32>
    %max3A = arith.constant 1.000000e+00 : f32
    %max3A_5 = vector.broadcast %max3A : f32 to vector<1024xf32>
    %max3A_6 = arith.maximumf %reduce_sum3A_2, %max3A_5 : vector<1024xf32>
    %rsqrt3A = math.rsqrt %max3A_6 : vector<1024xf32>
    %jit3A = arith.constant 0.000000e+00 : f32
    %broadcast_in_dim3A = vector.broadcast %jit3A : f32 to vector<1024xf32>
    %select_n3A = arith.select %gt3A_4, %rsqrt3A, %broadcast_in_dim3A : vector<1024xi1>, vector<1024xf32>
    %get3A_7 = arith.constant 0 : index
    %get3A_8 = arith.constant 0 : index
    %get3A_9 = vector.load %arg1[%get3A_7, %get3A_8] : memref<1024x128xf32, #tpu.memory_space<vmem>>, vector<1024x128xf32>
    %broadcast_in_dim3A_10 = vector.shape_cast %select_n3A : vector<1024xf32> to vector<1024x1xf32>
    %mul3A = vector.broadcast %broadcast_in_dim3A_10 : vector<1024x1xf32> to vector<1024x128xf32>
    %mul3A_11 = arith.mulf %get3A_9, %mul3A : vector<1024x128xf32>
    %swap3A = arith.constant 0 : index
    %swap3A_12 = arith.constant 0 : index
    %swap3A_13 = vector.load %arg3[%swap3A, %swap3A_12] : memref<1024x128xf32, #tpu.memory_space<vmem>>, vector<1024x128xf32>
    tpu.vector_store %arg3[%swap3A, %swap3A_12], %mul3A_11 {strides = array<i32>} : memref<1024x128xf32, #tpu.memory_space<vmem>>, vector<1024x128xf32>,
    return
  }
  func.func @transform_0(%arg0: i32) -> (i32, i32) {
    %c0_i32 = arith.constant 0 : i32
    %c0_i32_0 = arith.constant 0 : i32
    return %arg0, %c0_i32 : i32, i32
  }
  func.func @transform_1(%arg0: i32) -> (i32, i32) {
    %c0_i32 = arith.constant 0 : i32
    %c0_i32_0 = arith.constant 0 : i32
    return %c0_i32, %arg0 : i32, i32
  }
  func.func @transform_2(%arg0: i32) -> (i32, i32) {
    %c0_i32 = arith.constant 0 : i32
    %c0_i32_0 = arith.constant 0 : i32
    return %arg0, %c0_i32 : i32, i32
  }
}

module attributes {stable_mosaic.version = 14 : i64} {
  func.func @body(%arg0: i32, %arg1: memref<1x10112x128xf32, #tpu.memory_space<vmem>>, %arg2: memref<1x10112x128xf32, #tpu.memory_space<vmem>>, %arg3: memref<32x10112xf32, #tpu.memory_space<vmem>>, %arg4: memref<1x1x10112xi32, #tpu.memory_space<vmem>>, %arg5: memref<1x16xi32, #tpu.memory_space<vmem>>, %arg6: memref<1x128xf32, #tpu.memory_space<vmem>>, %arg7: memref<16x128xf32, #tpu.memory_space<vmem>>, %arg8: memref<1x1xf32, #tpu.memory_space<vmem>>, %arg9: memref<16x128xf32, #tpu.memory_space<vmem>>, %arg10: memref<16x1xf32, #tpu.memory_space<vmem>>) attributes {dimension_semantics = [#tpu.dimension_semantics<arbitrary>], iteration_bounds = array<i64: 1>, scalar_prefetch = 0 : i64, scratch_operands = 2 : i64, tpu.core_type = #tpu.core_type<tc>, window_params = [{transform_indices = @transform_0, window_bounds = array<i64: 1, 10112, 128>}, {transform_indices = @transform_1, window_bounds = array<i64: 1, 10112, 128>}, {transform_indices = @transform_2, window_bounds = array<i64: 32, 10112>}, {transform_indices = @transform_3, window_bounds = array<i64: 1, 1, 10112>}, {pipeline_mode = #tpu.pipeline_mode<synchronous>, transform_indices = @transform_4, window_bounds = array<i64: 1, 16>}, {pipeline_mode = #tpu.pipeline_mode<synchronous>, transform_indices = @transform_5, window_bounds = array<i64: 1, 128>}, {pipeline_mode = #tpu.pipeline_mode<synchronous>, transform_indices = @transform_6, window_bounds = array<i64: 16, 128>}, {pipeline_mode = #tpu.pipeline_mode<synchronous>, transform_indices = @transform_7, window_bounds = array<i64: 1, 1>}]} {
    %eq3A = arith.constant 0 : i32
    %eq3A_0 = arith.cmpi eq, %arg0, %eq3A : i32
    %convert_element_type3A = arith.extui %eq3A_0 : i1 to i32
    %cond3A = arith.constant 0 : i32
    %cond3A_1 = arith.cmpi ne, %convert_element_type3A, %cond3A : i32
    scf.if %cond3A_1 {
      %broadcast_in_dim3A_61 = arith.constant 0.000000e+00 : f32
      %broadcast_in_dim3A_62 = vector.broadcast %broadcast_in_dim3A_61 : f32 to vector<16x128xf32>
      %swap3A_63 = arith.constant 0 : index
      %swap3A_64 = arith.constant 0 : index
      %swap3A_65 = vector.load %arg9[%swap3A_63, %swap3A_64] : memref<16x128xf32, #tpu.memory_space<vmem>>, vector<16x128xf32>
      tpu.vector_store %arg9[%swap3A_63, %swap3A_64], %broadcast_in_dim3A_62 {strides = array<i32>} : memref<16x128xf32, #tpu.memory_space<vmem>>, vector<16x128xf32>,
      %broadcast_in_dim3A_66 = arith.constant 0.000000e+00 : f32
      %broadcast_in_dim3A_67 = vector.broadcast %broadcast_in_dim3A_66 : f32 to vector<16x1xf32>
      %swap3A_68 = arith.constant 0 : index
      %swap3A_69 = arith.constant 0 : index
      %swap3A_70 = vector.load %arg10[%swap3A_68, %swap3A_69] : memref<16x1xf32, #tpu.memory_space<vmem>>, vector<16x1xf32>
      tpu.vector_store %arg10[%swap3A_68, %swap3A_69], %broadcast_in_dim3A_67 {strides = array<i32>} : memref<16x1xf32, #tpu.memory_space<vmem>>, vector<16x1xf32>,
    } else {
    }
    %get3A = arith.constant 0 : index
    %get3A_2 = arith.constant 0 : index
    %get3A_3 = vector.load %arg3[%get3A, %get3A_2] : memref<32x10112xf32, #tpu.memory_space<vmem>>, vector<32x10112xf32>
    %reduce_sum3A = arith.constant dense<0.000000e+00> : vector<10112xf32>
    %reduce_sum3A_4 = vector.multi_reduction <add>, %get3A_3, %reduce_sum3A [0] : vector<32x10112xf32> to vector<10112xf32>
    %gt3A = arith.constant 0.000000e+00 : f32
    %gt3A_5 = vector.broadcast %gt3A : f32 to vector<10112xf32>
    %gt3A_6 = arith.cmpf ogt, %reduce_sum3A_4, %gt3A_5 : vector<10112xf32>
    %max3A = arith.constant 1.000000e+00 : f32
    %max3A_7 = vector.broadcast %max3A : f32 to vector<10112xf32>
    %max3A_8 = arith.maximumf %reduce_sum3A_4, %max3A_7 : vector<10112xf32>
    %rsqrt3A = math.rsqrt %max3A_8 : vector<10112xf32>
    %jit3A = arith.constant 0.000000e+00 : f32
    %broadcast_in_dim3A = vector.broadcast %jit3A : f32 to vector<10112xf32>
    %select_n3A = arith.select %gt3A_6, %rsqrt3A, %broadcast_in_dim3A : vector<10112xi1>, vector<10112xf32>
    %get3A_9 = arith.constant 0 : index
    %get3A_10 = arith.constant 0 : index
    %get3A_11 = arith.constant 0 : index
    %get3A_12 = vector.load %arg1[%get3A_9, %get3A_10, %get3A_11] : memref<1x10112x128xf32, #tpu.memory_space<vmem>>, vector<1x10112x128xf32>
    %get3A_13 = vector.shape_cast %get3A_12 : vector<1x10112x128xf32> to vector<10112x128xf32>
    %get3A_14 = arith.constant 0 : index
    %get3A_15 = arith.constant 0 : index
    %get3A_16 = arith.constant 0 : index
    %get3A_17 = vector.load %arg2[%get3A_14, %get3A_15, %get3A_16] : memref<1x10112x128xf32, #tpu.memory_space<vmem>>, vector<1x10112x128xf32>
    %get3A_18 = vector.shape_cast %get3A_17 : vector<1x10112x128xf32> to vector<10112x128xf32>
    %add3A = arith.addf %get3A_13, %get3A_18 : vector<10112x128xf32>
    %broadcast_in_dim3A_19 = vector.shape_cast %select_n3A : vector<10112xf32> to vector<10112x1xf32>
    %mul3A = vector.broadcast %broadcast_in_dim3A_19 : vector<10112x1xf32> to vector<10112x128xf32>
    %mul3A_20 = arith.mulf %add3A, %mul3A : vector<10112x128xf32>
    %get3A_21 = arith.constant 0 : index
    %get3A_22 = arith.constant 0 : index
    %get3A_23 = vector.load %arg6[%get3A_21, %get3A_22] : memref<1x128xf32, #tpu.memory_space<vmem>>, vector<1x128xf32>
    %add3A_24 = vector.broadcast %get3A_23 : vector<1x128xf32> to vector<10112x128xf32>
    %add3A_25 = arith.addf %mul3A_20, %add3A_24 : vector<10112x128xf32>
    %max3A_26 = arith.constant 0.000000e+00 : f32
    %max3A_27 = vector.broadcast %max3A_26 : f32 to vector<10112x128xf32>
    %max3A_28 = arith.maximumf %add3A_25, %max3A_27 : vector<10112x128xf32>
    %get3A_29 = arith.constant 0 : index
    %get3A_30 = arith.constant 0 : index
    %get3A_31 = arith.constant 0 : index
    %get3A_32 = vector.load %arg4[%get3A_29, %get3A_30, %get3A_31] : memref<1x1x10112xi32, #tpu.memory_space<vmem>>, vector<1x1x10112xi32>
    %get3A_33 = vector.shape_cast %get3A_32 : vector<1x1x10112xi32> to vector<10112xi32>
    %broadcast_in_dim3A_34 = vector.shape_cast %get3A_33 : vector<10112xi32> to vector<1x10112xi32>
    %iota3A = tpu.iota {dimensions = array<i32: 0>} : vector<16x10112xi32>
    %eq3A_35 = vector.broadcast %broadcast_in_dim3A_34 : vector<1x10112xi32> to vector<16x10112xi32>
    %eq3A_36 = arith.cmpi eq, %eq3A_35, %iota3A : vector<16x10112xi32>
    %convert_element_type3A_37 = arith.extui %eq3A_36 : vector<16x10112xi1> to vector<16x10112xi32>
    %convert_element_type3A_38 = arith.sitofp %convert_element_type3A_37 : vector<16x10112xi32> to vector<16x10112xf32>
    %get3A_39 = arith.constant 0 : index
    %get3A_40 = arith.constant 0 : index
    %get3A_41 = vector.load %arg9[%get3A_39, %get3A_40] : memref<16x128xf32, #tpu.memory_space<vmem>>, vector<16x128xf32>
    %dot_general3A = arith.constant dense<0.000000e+00> : vector<16x128xf32>
    %dot_general3A_42 = tpu.matmul %convert_element_type3A_38, %max3A_28, %dot_general3A {dimension_numbers = #tpu.dot_dimension_numbers<[1], [0], [0], [1], [0, 0, 1, 1], [], []>, transpose_lhs_hint = false} : vector<16x10112xf32>, vector<10112x128xf32>, vector<16x128xf32> -> vector<16x128xf32>
    %add3A_43 = arith.addf %get3A_41, %dot_general3A_42 : vector<16x128xf32>
    %swap3A = arith.constant 0 : index
    %swap3A_44 = arith.constant 0 : index
    %swap3A_45 = vector.load %arg9[%swap3A, %swap3A_44] : memref<16x128xf32, #tpu.memory_space<vmem>>, vector<16x128xf32>
    tpu.vector_store %arg9[%swap3A, %swap3A_44], %add3A_43 {strides = array<i32>} : memref<16x128xf32, #tpu.memory_space<vmem>>, vector<16x128xf32>,
    %get3A_46 = arith.constant 0 : index
    %get3A_47 = arith.constant 0 : index
    %get3A_48 = vector.load %arg10[%get3A_46, %get3A_47] : memref<16x1xf32, #tpu.memory_space<vmem>>, vector<16x1xf32>
    %reduce_sum3A_49 = arith.constant dense<0.000000e+00> : vector<16xf32>
    %reduce_sum3A_50 = vector.multi_reduction <add>, %convert_element_type3A_38, %reduce_sum3A_49 [1] : vector<16x10112xf32> to vector<16xf32>
    %broadcast_in_dim3A_51 = vector.shape_cast %reduce_sum3A_50 : vector<16xf32> to vector<16x1xf32>
    %add3A_52 = arith.addf %get3A_48, %broadcast_in_dim3A_51 : vector<16x1xf32>
    %swap3A_53 = arith.constant 0 : index
    %swap3A_54 = arith.constant 0 : index
    %swap3A_55 = vector.load %arg10[%swap3A_53, %swap3A_54] : memref<16x1xf32, #tpu.memory_space<vmem>>, vector<16x1xf32>
    tpu.vector_store %arg10[%swap3A_53, %swap3A_54], %add3A_52 {strides = array<i32>} : memref<16x1xf32, #tpu.memory_space<vmem>>, vector<16x1xf32>,
    %eq3A_56 = arith.constant 0 : i32
    %eq3A_57 = arith.cmpi eq, %arg0, %eq3A_56 : i32
    %convert_element_type3A_58 = arith.extui %eq3A_57 : i1 to i32
    %cond3A_59 = arith.constant 0 : i32
    %cond3A_60 = arith.cmpi ne, %convert_element_type3A_58, %cond3A_59 : i32
    scf.if %cond3A_60 {
      %get3A_61 = arith.constant 0 : index
      %get3A_62 = arith.constant 0 : index
      %get3A_63 = vector.load %arg9[%get3A_61, %get3A_62] : memref<16x128xf32, #tpu.memory_space<vmem>>, vector<16x128xf32>
      %get3A_64 = arith.constant 0 : index
      %get3A_65 = arith.constant 0 : index
      %get3A_66 = vector.load %arg10[%get3A_64, %get3A_65] : memref<16x1xf32, #tpu.memory_space<vmem>>, vector<16x1xf32>
      %max3A_67 = arith.constant 1.000000e+00 : f32
      %max3A_68 = vector.broadcast %max3A_67 : f32 to vector<16x1xf32>
      %max3A_69 = arith.maximumf %get3A_66, %max3A_68 : vector<16x1xf32>
      %div3A = vector.broadcast %max3A_69 : vector<16x1xf32> to vector<16x128xf32>
      %div3A_70 = arith.divf %get3A_63, %div3A : vector<16x128xf32>
      %swap3A_71 = arith.constant 0 : index
      %swap3A_72 = arith.constant 0 : index
      %swap3A_73 = vector.load %arg7[%swap3A_71, %swap3A_72] : memref<16x128xf32, #tpu.memory_space<vmem>>, vector<16x128xf32>
      tpu.vector_store %arg7[%swap3A_71, %swap3A_72], %div3A_70 {strides = array<i32>} : memref<16x128xf32, #tpu.memory_space<vmem>>, vector<16x128xf32>,
      %reduce_max3A = arith.constant dense<0xFF800000> : vector<16xf32>
      %reduce_max3A_74 = vector.multi_reduction <maximumf>, %div3A_70, %reduce_max3A [1] : vector<16x128xf32> to vector<16xf32>
      %broadcast_in_dim3A_75 = vector.shape_cast %reduce_max3A_74 : vector<16xf32> to vector<16x1xf32>
      %sub3A = vector.broadcast %broadcast_in_dim3A_75 : vector<16x1xf32> to vector<16x128xf32>
      %sub3A_76 = arith.subf %div3A_70, %sub3A : vector<16x128xf32>
      %exp3A = math.exp %sub3A_76 : vector<16x128xf32>
      %reduce_sum3A_77 = arith.constant dense<0.000000e+00> : vector<16xf32>
      %reduce_sum3A_78 = vector.multi_reduction <add>, %exp3A, %reduce_sum3A_77 [1] : vector<16x128xf32> to vector<16xf32>
      %broadcast_in_dim3A_79 = vector.shape_cast %reduce_sum3A_78 : vector<16xf32> to vector<16x1xf32>
      %log3A = math.log %broadcast_in_dim3A_79 : vector<16x1xf32>
      %add3A_80 = arith.addf %broadcast_in_dim3A_75, %log3A : vector<16x1xf32>
      %sub3A_81 = vector.broadcast %add3A_80 : vector<16x1xf32> to vector<16x128xf32>
      %sub3A_82 = arith.subf %div3A_70, %sub3A_81 : vector<16x128xf32>
      %iota3A_83 = tpu.iota {dimensions = array<i32: 1>} : vector<16x128xi32>
      %get3A_84 = arith.constant 0 : index
      %get3A_85 = arith.constant 0 : index
      %get3A_86 = vector.load %arg5[%get3A_84, %get3A_85] : memref<1x16xi32, #tpu.memory_space<vmem>>, vector<1x16xi32>
      %get3A_87 = vector.shape_cast %get3A_86 : vector<1x16xi32> to vector<16xi32>
      %broadcast_in_dim3A_88 = vector.shape_cast %get3A_87 : vector<16xi32> to vector<16x1xi32>
      %eq3A_89 = vector.broadcast %broadcast_in_dim3A_88 : vector<16x1xi32> to vector<16x128xi32>
      %eq3A_90 = arith.cmpi eq, %iota3A_83, %eq3A_89 : vector<16x128xi32>
      %convert_element_type3A_91 = arith.extui %eq3A_90 : vector<16x128xi1> to vector<16x128xi32>
      %convert_element_type3A_92 = arith.sitofp %convert_element_type3A_91 : vector<16x128xi32> to vector<16x128xf32>
      %mul3A_93 = arith.mulf %sub3A_82, %convert_element_type3A_92 : vector<16x128xf32>
      %reduce_sum3A_94 = arith.constant dense<0.000000e+00> : vector<16xf32>
      %reduce_sum3A_95 = vector.multi_reduction <add>, %mul3A_93, %reduce_sum3A_94 [1] : vector<16x128xf32> to vector<16xf32>
      %broadcast_in_dim3A_96 = vector.shape_cast %reduce_sum3A_95 : vector<16xf32> to vector<16x1xf32>
      %neg3A = arith.constant 0.000000e+00 : f32
      %neg3A_97 = vector.broadcast %neg3A : f32 to vector<16x1xf32>
      %neg3A_98 = arith.subf %neg3A_97, %broadcast_in_dim3A_96 : vector<16x1xf32>
      %reduce_sum3A_99 = vector.shape_cast %neg3A_98 : vector<16x1xf32> to vector<1x16x1xf32>
      %reduce_sum3A_100 = arith.constant dense<0.000000e+00> : vector<1xf32>
      %reduce_sum3A_101 = vector.multi_reduction <add>, %reduce_sum3A_99, %reduce_sum3A_100 [1, 2] : vector<1x16x1xf32> to vector<1xf32>
      %reduce_sum3A_102 = vector.shape_cast %reduce_sum3A_101 : vector<1xf32> to vector<1x1x1xf32>
      %reduce_sum3A_103 = vector.extract %reduce_sum3A_102[0, 0, 0] : f32 from vector<1x1x1xf32>
      %div3A_104 = arith.constant 1.600000e+01 : f32
      %div3A_105 = arith.divf %reduce_sum3A_103, %div3A_104 : f32
      %reshape3A = vector.broadcast %div3A_105 : f32 to vector<1x1xf32>
      %swap3A_106 = arith.constant 0 : index
      %swap3A_107 = arith.constant 0 : index
      %swap3A_108 = vector.load %arg8[%swap3A_106, %swap3A_107] : memref<1x1xf32, #tpu.memory_space<vmem>>, vector<1x1xf32>
      tpu.vector_store %arg8[%swap3A_106, %swap3A_107], %reshape3A {strides = array<i32>} : memref<1x1xf32, #tpu.memory_space<vmem>>, vector<1x1xf32>,
    } else {
    }
    return
  }
  func.func @transform_0(%arg0: i32) -> (i32, i32, i32) {
    %c0_i32 = arith.constant 0 : i32
    %c0_i32_0 = arith.constant 0 : i32
    %c0_i32_1 = arith.constant 0 : i32
    return %c0_i32, %arg0, %c0_i32_0 : i32, i32, i32
  }
  func.func @transform_1(%arg0: i32) -> (i32, i32, i32) {
    %c1_i32 = arith.constant 1 : i32
    %c0_i32 = arith.constant 0 : i32
    %c0_i32_0 = arith.constant 0 : i32
    return %c1_i32, %arg0, %c0_i32 : i32, i32, i32
  }
  func.func @transform_2(%arg0: i32) -> (i32, i32) {
    %c0_i32 = arith.constant 0 : i32
    %c0_i32_0 = arith.constant 0 : i32
    return %c0_i32, %arg0 : i32, i32
  }
  func.func @transform_3(%arg0: i32) -> (i32, i32, i32) {
    %c0_i32 = arith.constant 0 : i32
    %c0_i32_0 = arith.constant 0 : i32
    %c0_i32_1 = arith.constant 0 : i32
    return %arg0, %c0_i32, %c0_i32_0 : i32, i32, i32
  }
  func.func @transform_4(%arg0: i32) -> (i32, i32) {
    %c0_i32 = arith.constant 0 : i32
    %c0_i32_0 = arith.constant 0 : i32
    %c0_i32_1 = arith.constant 0 : i32
    return %c0_i32, %c0_i32_0 : i32, i32
  }
  func.func @transform_5(%arg0: i32) -> (i32, i32) {
    %c0_i32 = arith.constant 0 : i32
    %c0_i32_0 = arith.constant 0 : i32
    %c0_i32_1 = arith.constant 0 : i32
    return %c0_i32, %c0_i32_0 : i32, i32
  }
  func.func @transform_6(%arg0: i32) -> (i32, i32) {
    %c0_i32 = arith.constant 0 : i32
    %c0_i32_0 = arith.constant 0 : i32
    %c0_i32_1 = arith.constant 0 : i32
    return %c0_i32, %c0_i32_0 : i32, i32
  }
  func.func @transform_7(%arg0: i32) -> (i32, i32) {
    %c0_i32 = arith.constant 0 : i32
    %c0_i32_0 = arith.constant 0 : i32
    %c0_i32_1 = arith.constant 0 : i32
    return %c0_i32, %c0_i32_0 : i32, i32
  }
}

</mosaic_0001>

<sc_bundles>
// kernel: kernel.10.cloned.1.call-start
scs
__scs_entry_jumppad:
0x0: {  	(pc) =	sbr.rel $0x88, $3  }
0x1: {  	(tag) =	ssettag $0x0;
	lr =	simm.s32 $0x1  }
0x2: {  	[smem:$0x3F9B] =	sst lr;
	_ =	strace $0xD0000000  }
0x3: {  	_ = 	snop  }
0x4: {  	_ = 	snop  }
0x5: {  	_ = 	snop  }
0x6: {  	_ = 	snop  }
0x7: {  	_ = 	snop  }
__scs_overlays_trampoline_lowered:
0x8: {  	[smem:$0x3FAA] =	sst s0  }
0x9: {  	[smem:$0x3FAB] =	sst s1  }
0xa: {  	[smem:$0x3FAC] =	sst s2  }
0xb: {  	[smem:$0x3FAD] =	sst s3  }
0xc: {  	[smem:$0x3FAE] =	sst s4  }
0xd: {  	[smem:$0x3FAF] =	sst s5  }
0xe: {  	[smem:$0x3FB0] =	sst s6  }
0xf: {  	[smem:$0x3FB1] =	sst s7  }
0x10: {  	[smem:$0x3FB2] =	sst s8  }
0x11: {  	[smem:$0x3FB3] =	sst s9;
	s0 =	simm.s32 @!p0 $0x0  }
0x12: {  	s1 =	sld [smem:$0x3F99];
	s0 =	simm.s32 @p0 $0x1  }
0x13: {  	[smem:$0x3FB4] =	sst s0;
	s0 =	simm.s32 @!p1 $0x0  }
0x14: {  	s2 =	sld [smem:$0x3F98];
	s0 =	simm.s32 @p1 $0x1  }
0x15: {  	[smem:$0x3FB5] =	sst s0;
	s0 =	simm.s32 @!p2 $0x0  }
0x16: {  	s3 =	sld [smem:$0x3FDB];
	s0 =	simm.s32 @p2 $0x1  }
0x17: {  	s4 =	simm.s32 $0x1BF5;
	[smem:$0x3FB7] =	sst s0  }
0x18: {  	s0 =	sld [smem:$0x3F9A];
	_ =	swait.ge [sflag:s4], $0x0  }
0x19: {  	s7 =	sld [smem:$0x3F9B]  }
0x1a: {  	s8 =	sadd.s32 $0xFFFFE003, lr  }
0x1b: {  	s9 =	sadd.s32 $0xFFFFFEF7, lr;
	s5 =	simm.s32 $0xFFFFFFFF;
	p2 =	slt.u32 s8, $0xFFFFF086  }
0x1c: {  	p1 =	slt.u32 s9, $0xF7A;
	s5 =	simm.s32 @!p2 $0x0  }
0x1d: {  	s5 =	simm.s32 @p1 $0x1;
	p0 =	seq.s32 s7, s2  }
0x1e: {  	s7 =	smul.u32 @!p0 $0xF7A, s2;
	p2 =	seq.s32 @!p0 s5, $0x0  }
0x1f: {  	s9 =	smul.u32 $0xF7A, s1;
	s8 =	simm.s32 @!p0 $0x1BF5;
	p2 =	por !p2, p0  }
0x20: {  	[sflag:s8] =	ssyncset.s32 @!p0 $0xFFFFF086;
	s6 =	sadd.s32 @!p0 s3, s7;
	s7 =	simm.s32 @!p0 $0x108  }
0x21: {  	s3 =	sadd.s32 s3, s9;
	s6 =	sadd.s32 @!p0 $0x88, s6;
	s7 =	simm.s32 @p2 $0x1082  }
0x22: {  	[simem:s7], [sflag:s8] =	dma.local @!p0 [hbm:s6], $0xF7A  }
0x23: {  	s9 =	sor.u32 $0xD0000000, s2;
	s6 =	simm.s32 $0x108;
	_ =	swait.ge @!p0 [sflag:s8], $0x0  }
0x24: {  	s3 =	sadd.s32 $0x88, s3;
	s6 =	simm.s32 @!p1 $0x1082;
	[sflag:s4] =	ssyncset.s32 $0xFFFFF086  }
0x25: {  	[simem:s6], [sflag:s4] =	dma.local [hbm:s3], $0xF7A  }
0x26: {  	[smem:$0x3F9B] =	sst s1;
	(tag) =	ssettag s2;
	_ =	strace s9  }
0x27: {  	s1 =	sld [smem:$0x3FAB]  }
0x28: {  	s2 =	sld [smem:$0x3FAC]  }
0x29: {  	s4 =	sld [smem:$0x3FAE]  }
0x2a: {  	p0 =	seq.s32 s5, $0x0;
	s5 =	sld [smem:$0x3FAF]  }
0x2b: {  	s6 =	sld [smem:$0x3FB0]  }
0x2c: {  	s7 =	sld [smem:$0x3FB1]  }
0x2d: {  	s3 =	simm.s32 $0x108;
	s8 =	sld [smem:$0x3FB2]  }
0x2e: {  	s3 =	simm.s32 @!p0 $0x1082;
	s9 =	sld [smem:$0x3FB3]  }
0x2f: {  	lr =	sadd.s32 s0, s3;
	s0 =	sld [smem:$0x3FAA]  }
0x30: {  	s3 =	sld [smem:$0x3FAD]  }
0x31: {  	[smem:$0x3FB6] =	sst s10  }
0x32: {  	s10 =	sld [smem:$0x3FB4];
	_ =	sdelay $0x3  }
0x33: {  	p0 =	seq.s32 s10, $0x1;
	s10 =	sld [smem:$0x3FB6];
	_ =	sdelay $0x3  }
0x34: {  	[smem:$0x3FB6] =	sst s10  }
0x35: {  	s10 =	sld [smem:$0x3FB5];
	_ =	sdelay $0x3  }
0x36: {  	p1 =	seq.s32 s10, $0x1;
	s10 =	sld [smem:$0x3FB6];
	_ =	sdelay $0x3  }
0x37: {  	[smem:$0x3FB6] =	sst s10  }
0x38: {  	s10 =	sld [smem:$0x3FB7]  }
0x39: {  	_ = 	snop;
	(pc) =	sbr.ind lr, $3  }
0x3a: {  	_ = 	snop  }
0x3b: {  	_ = 	snop  }
0x3c: {  	p2 =	seq.s32 s10, $0x1;
	s10 =	sld [smem:$0x3FB6]  }
0x3d: {  	_ =	shalt  }
0x3e: {  	_ =	shalt  }
0x3f: {  	_ =	shalt  }
0x40: {  	_ =	shalt  }
0x41: {  	_ =	shalt  }
0x42: {  	_ =	shalt  }
0x43: {  	_ =	shalt  }
0x44: {  	_ =	shalt  }
0x45: {  	_ =	shalt  }
0x46: {  	_ =	shalt  }
0x47: {  	_ =	shalt  }
0x48: {  	_ =	shalt  }
0x49: {  	_ =	shalt  }
0x4a: {  	_ =	shalt  }
0x4b: {  	_ =	shalt  }
0x4c: {  	_ =	shalt  }
0x4d: {  	_ =	shalt  }
0x4e: {  	_ =	shalt  }
0x4f: {  	_ =	shalt  }
0x50: {  	_ =	shalt  }
0x51: {  	_ =	shalt  }
0x52: {  	_ =	shalt  }
0x53: {  	_ =	shalt  }
0x54: {  	_ =	shalt  }
0x55: {  	_ =	shalt  }
0x56: {  	_ =	shalt  }
0x57: {  	_ =	shalt  }
0x58: {  	_ =	shalt  }
0x59: {  	_ =	shalt  }
0x5a: {  	_ =	shalt  }
0x5b: {  	_ =	shalt  }
0x5c: {  	_ =	shalt  }
0x5d: {  	_ =	shalt  }
0x5e: {  	_ =	shalt  }
0x5f: {  	_ =	shalt  }
0x60: {  	_ =	shalt  }
0x61: {  	_ =	shalt  }
0x62: {  	_ =	shalt  }
0x63: {  	_ =	shalt  }
0x64: {  	_ =	shalt  }
0x65: {  	_ =	shalt  }
0x66: {  	_ =	shalt  }
0x67: {  	_ =	shalt  }
0x68: {  	_ =	shalt  }
0x69: {  	_ =	shalt  }
0x6a: {  	_ =	shalt  }
0x6b: {  	_ =	shalt  }
0x6c: {  	_ =	shalt  }
0x6d: {  	_ =	shalt  }
0x6e: {  	_ =	shalt  }
0x6f: {  	_ =	shalt  }
0x70: {  	_ =	shalt  }
0x71: {  	_ =	shalt  }
0x72: {  	_ =	shalt  }
0x73: {  	_ =	shalt  }
0x74: {  	_ =	shalt  }
0x75: {  	_ =	shalt  }
0x76: {  	_ =	shalt  }
0x77: {  	_ =	shalt  }
0x78: {  	_ =	shalt  }
0x79: {  	_ =	shalt  }
0x7a: {  	_ =	shalt  }
0x7b: {  	_ =	shalt  }
0x7c: {  	_ =	shalt  }
0x7d: {  	_ =	shalt  }
0x7e: {  	_ =	shalt  }
0x7f: {  	_ =	shalt  }
0x80: {  	_ =	shalt  }
0x81: {  	_ =	shalt  }
0x82: {  	_ =	shalt  }
0x83: {  	_ =	shalt  }
0x84: {  	_ =	shalt  }
0x85: {  	_ =	shalt  }
0x86: {  	_ =	shalt  }
0x87: {  	_ =	shalt  }
.Lfunc_end0:
.L_simem_size_0:
called_computation.1_lowered:
.L_overlay_start_0:
0x88: {  	s2 =	sld [smem:$0x3FD9]  }
0x89: {  	s3 =	sld [smem:$0x3FFE];
	_ =	sdelay $0x1  }
0x8a: {  	s1 =	srdreg.scid  }
0x8b: {  	s0 =	sand.u32 $0x1, s1  }
0x8c: {  	s16 =	sshll.u32 s0, $0xA;
	s2 =	sadd.s32 s3, s2  }
0x8d: {  	s2 =	sadd.s32 s2, s16  }
0x8e: {  	[smem:$0x3FC2] =	sst s2  }
0x8f: {  	_ = 	snop  }
0x90: {  	(tm) =	ssettm $0x1  }
0x91: {  	s17 =	sld [smem:$0x3FFB];
	_ =	sdelay $0x3  }
0x92: {  	_ =	strace s17  }
0x93: {  	s2 =	sld [smem:$0x3FFC];
	_ =	sdelay $0x3  }
0x94: {  	_ =	strace s2  }
0x95: {  	s2 =	sld [smem:$0x3FFD];
	_ =	sdelay $0x3  }
0x96: {  	_ =	strace s2  }
0x97: {  	_ =	strace $0x8FFFFFFF  }
0x98: {  	s18 =	sld [smem:$0x3FDB];
	_ =	sdelay $0x1  }
0x99: {  	s19 =	simm.s32 $_scs_section_size  }
0x9a: {  	s4 =	simm.s32 $_size__tile_overlayer_lowered;
	s5 =	simm.s32 $_tile_overlayer_lowered  }
0x9b: {  	s22 =	simm.s32 $0x1BFF;
	s21 =	sshll.u32 s5, $0x1;
	s2 =	sadd.s32 s19, s18  }
0x9c: {  	s6 =	simm.s32 $0x0;
	s20 =	sshll.u32 s4, $0x1;
	s4 =	sadd.s32 s21, s2  }
0x9d: {  	[timem:s6], [sflag:s22] =	dma.local [hbm:s4], s20  }
0x9e: {  	_ =	swait.ge [sflag:s22], s20  }
0x9f: {  	s3 =	ssub.s32 $0x0, s20;
	[sflag:s22] =	ssyncset.done $0x0  }
0xa0: {  	[sflag:s22] =	ssyncadd.s32 s3;
	_ =	sdelay $0x1  }
0xa1: {  	s23 =	simm.s32 $0x1B8B  }
0xa2: {  	_ =	swait.ge [sflag:s23], $0x1  }
0xa3: {  	[sflag:s23] =	ssyncset.done $0x0  }
0xa4: {  	s25 =	simm.s32 $0x1B8E;
	s24 =	sld [smem:$0x3FFE];
	[sflag:s23] =	ssyncadd.s32 $0xFFFFFFFF  }
0xa5: {  	s26 =	simm.s32 $execute0_lowered;
	[smem:$0x3FD2] =	sst s25  }
0xa6: {  	s4 =	sshll.u32 s26, $0x1;
	_ =	strace $0x80000049;
	[dreg:$0x1] =	wrdreg $0xFFFFFFFF  }
0xa7: {  	s28 =	simm.s32 $_size_execute0_lowered;
	s2 =	sadd.s32 s2, s4;
	[dreg:$0x0] =	wrdreg $0x0  }
0xa8: {  	s4 =	sshll.u32 s28, $0x1;
	[dreg:$0x2] =	wrdreg s2  }
0xa9: {  	[dreg:$0x3] =	wrdreg s4  }
0xaa: {  	[dreg:$0x4] =	wrdreg $0xC0  }
0xab: {  	_ =	task [dreg:s6], $0x5FFFF  }
0xac: {  	[dreg:$0x1] =	wrdreg $0xFFFFFFFF  }
0xad: {  	[dreg:$0x0] =	wrdreg $0x60  }
0xae: {  	[dreg:$0x2] =	wrdreg s24  }
0xaf: {  	[dreg:$0x3] =	wrdreg $0x24000  }
0xb0: {  	[dreg:$0x4] =	wrdreg $0xC4000  }
0xb1: {  	[dreg:$0x5] =	wrdreg $0x9  }
0xb2: {  	_ =	task.clear_ibuf [dreg:s6], $0x6FFFF;
	_ =	strace $0x90000049  }
0xb3: {  	s29 =	simm.s32 $0x9;
	_ =	strace $0x8000004B  }
0xb4: {  	_ =	swait.ge [sflag:s29], $0x1  }
0xb5: {  	[sflag:s29] =	ssyncadd.s32 $0xFFFFFFFF  }
0xb6: {  	_ =	strace $0x9000004B  }
0xb7: {  	_ =	sfence  }
0xb8: {  	s30 =	sld [smem:$0x0];
	_ =	sdelay $0x2  }
0xb9: {  	s31 =	sshll.u32 s1, $0xD;
	s1 =	sshrl.u32 s1, $0x2  }
0xba: {  	s3 =	sand.u32 $0x4000, s31;
	s1 =	sadd.s32 s1, s30  }
0xbb: {  	s0 =	sor.u32 s3, s0;
	s1 =	sshll.u32 s1, $0x11  }
0xbc: {  	s0 =	sor.u32 s1, s0  }
0xbd: {  	s0 =	sadd.s32 $0x8F2B, s0  }
0xbe: {  	[sflag:s0] =	ssyncadd.remote.s32 $0x1  }
0xbf: {  	_ =	sfence.sel $0xFFFF  }
0xc0: {  	[dreg:$0x0] =	wrdreg $0xFFFFFFFF;
	(pc) =	sbr.abs _section_cstart, $3  }
0xc1: {  	[dreg:$0x1] =	wrdreg $0xFFFFFFFF  }
0xc2: {  	_ =	task.clear_ibuf [dreg:s6], $0x2FFFF;
	_ =	strace $0x9FFFFFFF  }
0xc3: {  	(tm) =	ssettm $0x7FFFFFFF  }
tec
execute0_lowered:
.L_overlay_start_1:
0x0: {  	(tag) =	ssettag $0x1  }
0x1: {  	s1 =	rddreg [dreg:$0x0]  }
0x2: {  	s0 =	srdreg.scid;
	s13 =	stileid.u32  }
0x3: {  	s2 =	rddreg [dreg:$0x1];
	s6 =	smul.u32 $0x140, s13  }
0x4: {  	s3 =	rddreg [dreg:$0x2];
	s4 =	simm.s32 $0x0;
	s7 =	smul.u32 $0x2780, s13  }
0x5: {  	s28 =	simm.s32 $0x4;
	s5 =	sand.u32 $0x1, s0;
	s11 =	smul.u32 $0x28000, s13  }
0x6: {  	s29 =	simm.s32 $0x8;
	s30 =	simm.s32 $0x5;
	s0 =	smul.u32 $0x1400, s5  }
0x7: {  	[smem:$0x7FF] =	sst s4;
	s8 =	sadd.s32 $0x15400, s1;
	s12 =	smul.u32 $0x4F000, s13  }
0x8: {  	s10 =	sadd.s32 $0x1600, s1;
	s9 =	smul.u32 $0x27800, s5;
	s6 =	sadd.s32 s6, s0  }
0x9: {  	_ =	strace $0x8000004A;
	s11 =	sshrl.u32 s11, $0x2;
	s6 =	sshll.u32 s6, $0x4  }
0xa: {  	s15 =	sshrl.u32 s12, $0x2;
	s7 =	sadd.s32 s7, s9;
	s6 =	sadd.s32 s6, s1  }
0xb: {  	s1 =	sadd.s32 s7, s1;
	s7 =	sadd.s32 s15, s3;
	s6 =	sadd.s32 $0x1F200, s6  }
0xc: {  	s9 =	sadd.s32 s11, s2;
	s11 =	sadd.s32 $0x1000, s7;
	[dreg:$0x4] =	wrdreg s6  }
0xd: {  	s31 =	simm.s32 $0x0;
	s16 =	sadd.s32 $0x2000, s7;
	[dreg:$0x5] =	wrdreg s11  }
0xe: {  	s14 =	sshll.u32 s13, $0x6;
	s18 =	sadd.s32 $0x3000, s7;
	[dreg:$0x6] =	wrdreg s16  }
0xf: {  	s17 =	smul.u32 $0x4F00, s13;
	s19 =	sadd.s32 $0x4000, s7;
	[dreg:$0x7] =	wrdreg s18  }
0x10: {  	s13 =	smul.u32 $0x9E0, s13;
	s20 =	sadd.s32 $0x5000, s7;
	[dreg:$0x8] =	wrdreg s19  }
0x11: {  	s5 =	ssub.s32 $0x2, s5;
	s21 =	sadd.s32 $0x6000, s7;
	[dreg:$0x9] =	wrdreg s20  }
0x12: {  	s26 =	sshrl.u32 s5, $0x1;
	s22 =	sadd.s32 $0x7000, s7;
	[dreg:$0xa] =	wrdreg s21  }
0x13: {  	s5 =	ssub.s32 s5, s26;
	s12 =	sadd.s32 $0x8000, s7;
	[dreg:$0xb] =	wrdreg s22  }
0x14: {  	s1 =	sadd.s32 $0x47200, s1;
	s15 =	sadd.s32 $0x9000, s7;
	[dreg:$0x10] =	wrdreg s12  }
0x15: {  	s6 =	sor.u32 $0x1C09, s14;
	s19 =	sadd.s32 s13, s10;
	[dreg:$0x11] =	wrdreg s1  }
0x16: {  	s20 =	sadd.s32 s13, s8;
	s13 =	smax.u32 s5, $0x1;
	[dreg:$0x14] =	wrdreg s15  }
0x17: {  	s11 =	sshrl.u32 s17, $0x3;
	s14 =	sshrl.u32 s9, $0x3;
	[dreg:$0x12] =	wrdreg s13  }
0x18: {  	s16 =	sadd.s32 $0xA000, s7;
	s17 =	sadd.s32 $0xB000, s7;
	[dreg:$0x13] =	wrdreg s14  }
0x19: {  	s18 =	sadd.s32 $0xC000, s7;
	s21 =	sadd.s32 $0xD000, s7;
	[dreg:$0x15] =	wrdreg s16  }
0x1a: {  	s22 =	sadd.s32 $0xE000, s7;
	s9 =	sadd.s32 $0x13000, s7;
	[dreg:$0x16] =	wrdreg s17  }
0x1b: {  	s12 =	simm.s32 $0x2200;
	s15 =	simm.s32 $0x20;
	[dreg:$0x17] =	wrdreg s18  }
0x1c: {  	s23 =	sadd.s32 s8, s11;
	s24 =	sor.u32 $0x4, s11;
	[dreg:$0x18] =	wrdreg s21  }
0x1d: {  	s11 =	sadd.s32 s10, s11;
	[dreg:$0x19] =	wrdreg s22;
	s13 =	simm.s32 $0x2080  }
0x1e: {  	s14 =	simm.s32 $0x2280;
	s16 =	simm.s32 $0x1;
	s17 =	simm.s32 $0x1000  }
0x1f: {  	s18 =	simm.s32 $0x2100;
	s21 =	simm.s32 $0x2300;
	[dreg:$0xc] =	wrdreg s23  }
0x20: {  	s22 =	simm.s32 $0x2;
	[dreg:$0xd] =	wrdreg s11;
	s25 =	sadd.s32 s8, s24  }
0x21: {  	s26 =	sadd.s32 s10, s24;
	s23 =	sadd.s32 $0xF000, s7;
	[dreg:$0xe] =	wrdreg s25  }
.Ltmp0:
0x22: {  	s24 =	sadd.s32 $0x10000, s7;
	[dreg:$0xf] =	wrdreg s26;
	(pc) =	sbr.rel .LBB2_1-.Ltmp0, $4  }
0x23: {  	s10 =	simm.s32 $0x9;
	s11 =	simm.s32 $0x2000;
	[dreg:$0x1a] =	wrdreg s23  }
0x24: {  	[dreg:$0x1b] =	wrdreg s24;
	s25 =	sadd.s32 $0x11000, s7;
	s26 =	sadd.s32 $0x12000, s7  }
0x25: {  	v2 =	vlaneseq.u32;
	s23 =	simm.s32 $0x3;
	s24 =	simm.s32 $0x7;
	[dreg:$0x1c] =	wrdreg s25  }
0x26: {  	v1 =	vimm.f32 $0.0e+00;
	v2 =	vor.u32 $0x2770, v2;
	v0 =	vmov s0;
	[dreg:$0x1d] =	wrdreg s26;
	s25 =	simm.s32 $0x2180;
	s26 =	simm.s32 $0x2380  }
.LBB2_6:
0x27: {  	_ =	swait.ge [sflag:s22], $0x1000  }
0x28: {  	[sflag:s22] =	ssyncset.done $0x0  }
0x29: {  	[sflag:s22] =	ssyncadd.s32 $0xFFFFF000  }
0x2a: {  	[spmem:s3] =	stream.indirect.scatter.add.f32 [tilespmem:s17], [sflag:$0x4], $0x80, s26, s15, $0xb8;
	v63 =	vld [tilespmem:$0x0]  }
0x2b: {  	_ =	swait.ge [sflag:s23], $0x1000  }
0x2c: {  	[sflag:s23] =	ssyncset.done $0x0  }
0x2d: {  	[sflag:s23] =	ssyncadd.s32 $0xFFFFF000  }
0x2e: {  	_ =	swait.ge [sflag:s28], $0x1000  }
0x2f: {  	[sflag:s28] =	ssyncset.done $0x0  }
0x30: {  	[sflag:s28] =	ssyncadd.s32 $0xFFFFF000  }
0x31: {  	[bflag:$0x0] =	sbarrier.arrive $0xFFFF  }
0x32: {  	s0 =	sshrl.u32 s7, $0x3;
	s1 =	rddreg [dreg:$0x11]  }
0x33: {  	[hbm:s1], [sflag:s6] =	dma.local [spmem:s0], $0x2780  }
0x34: {  	_ =	swait.ge [sflag:s10], $0x2780  }
0x35: {  	s31 =	sadd.s32 $0x1, s31;
	s8 =	rddreg [dreg:$0x12]  }
0x36: {  	p0 =	sne.s32 s31, s8  }
.Ltmp1:
0x37: {  	_ = 	snop;
	(pc) =	sbr.rel @!p0 .LBB2_7-.Ltmp1, $3  }
0x38: {  	_ =	sdelay $0x1  }
0x39: {  	[sflag:s10] =	ssyncset.done $0x0  }
0x3a: {  	[sflag:s10] =	ssyncadd.s32 $0xFFFFD880  }
.LBB2_1:
0x3b: {  	s0 =	rddreg [dreg:$0x4]  }
0x3c: {  	s1 =	rddreg [dreg:$0x13]  }
0x3d: {  	[spmem:s1], [sflag:s6] =	dma.local [hbm:s0], $0x1400  }
0x3e: {  	_ =	swait.ge [sflag:s10], $0x1400  }
0x3f: {  	[sflag:s10] =	ssyncset.done $0x0  }
0x40: {  	s0 =	simm.s32 $0x0;
	s1 =	simm.s32 $0x200;
	[sflag:s10] =	ssyncadd.s32 $0xFFFFEC00  }
.LBB2_2:
0x41: {  	p0 =	sne.s32 s1, $0x3E00;
	[tilespmem:s0+$0x70] =	vst v1  }
0x42: {  	[tilespmem:s0+$0x0] =	vst v1  }
0x43: {  	[tilespmem:s0+$0x10] =	vst v1  }
.Ltmp2:
0x44: {  	[tilespmem:s0+$0x20] =	vst v1;
	(pc) =	sbr.rel @p0 .LBB2_2-.Ltmp2, $4  }
0x45: {  	[tilespmem:s0+$0x30] =	vst v1  }
0x46: {  	[tilespmem:s0+$0x40] =	vst v1  }
0x47: {  	[tilespmem:s0+$0x50] =	vst v1  }
0x48: {  	[tilespmem:s0+$0x60] =	vst v1;
	s0 =	sshra.s32 s1, $0x2;
	s1 =	sadd.s32 $0x200, s1  }
0x49: {  	[tilespmem:s0+$0x70] =	vst v1  }
0x4a: {  	[tilespmem:s0+$0x0] =	vst v1  }
0x4b: {  	[tilespmem:s0+$0x10] =	vst v1  }
0x4c: {  	[tilespmem:s0+$0x20] =	vst v1  }
0x4d: {  	[tilespmem:s0+$0x30] =	vst v1  }
0x4e: {  	[tilespmem:s0+$0x40] =	vst v1  }
0x4f: {  	[tilespmem:s0+$0x50] =	vst v1  }
0x50: {  	[tilespmem:s0+$0x60] =	vst v1;
	s1 =	simm.s32 $0x0  }
0x51: {  	[spmem:s7] =	stream.linear.scatter [tilespmem:s1], [sflag:$0x9], $0x1000, $0x38;
	v63 =	vld [tilespmem:$0x0]  }
0x52: {  	_ =	swait.ge [sflag:s10], $0x1000  }
0x53: {  	[sflag:s10] =	ssyncset.done $0x0  }
0x54: {  	s5 =	rddreg [dreg:$0x5];
	[sflag:s10] =	ssyncadd.s32 $0xFFFFF000  }
0x55: {  	[spmem:s5] =	stream.linear.scatter [tilespmem:s1], [sflag:$0x9], $0x1000, $0x38;
	v63 =	vld [tilespmem:$0x0]  }
0x56: {  	_ =	swait.ge [sflag:s10], $0x1000  }
0x57: {  	[sflag:s10] =	ssyncset.done $0x0  }
0x58: {  	s8 =	rddreg [dreg:$0x6];
	[sflag:s10] =	ssyncadd.s32 $0xFFFFF000  }
0x59: {  	[spmem:s8] =	stream.linear.scatter [tilespmem:s1], [sflag:$0x9], $0x1000, $0x38;
	v63 =	vld [tilespmem:$0x0]  }
0x5a: {  	_ =	swait.ge [sflag:s10], $0x1000  }
0x5b: {  	[sflag:s10] =	ssyncset.done $0x0  }
0x5c: {  	s5 =	rddreg [dreg:$0x7];
	[sflag:s10] =	ssyncadd.s32 $0xFFFFF000  }
0x5d: {  	[spmem:s5] =	stream.linear.scatter [tilespmem:s1], [sflag:$0x9], $0x1000, $0x38;
	v63 =	vld [tilespmem:$0x0]  }
0x5e: {  	_ =	swait.ge [sflag:s10], $0x1000  }
0x5f: {  	[sflag:s10] =	ssyncset.done $0x0  }
0x60: {  	s8 =	rddreg [dreg:$0x8];
	[sflag:s10] =	ssyncadd.s32 $0xFFFFF000  }
0x61: {  	[spmem:s8] =	stream.linear.scatter [tilespmem:s1], [sflag:$0x9], $0x1000, $0x38;
	v63 =	vld [tilespmem:$0x0]  }
0x62: {  	_ =	swait.ge [sflag:s10], $0x1000  }
0x63: {  	[sflag:s10] =	ssyncset.done $0x0  }
0x64: {  	s5 =	rddreg [dreg:$0x9];
	[sflag:s10] =	ssyncadd.s32 $0xFFFFF000  }
0x65: {  	[spmem:s5] =	stream.linear.scatter [tilespmem:s1], [sflag:$0x9], $0x1000, $0x38;
	v63 =	vld [tilespmem:$0x0]  }
0x66: {  	_ =	swait.ge [sflag:s10], $0x1000  }
0x67: {  	[sflag:s10] =	ssyncset.done $0x0  }
0x68: {  	s8 =	rddreg [dreg:$0xa];
	[sflag:s10] =	ssyncadd.s32 $0xFFFFF000  }
0x69: {  	[spmem:s8] =	stream.linear.scatter [tilespmem:s1], [sflag:$0x9], $0x1000, $0x38;
	v63 =	vld [tilespmem:$0x0]  }
0x6a: {  	_ =	swait.ge [sflag:s10], $0x1000  }
0x6b: {  	[sflag:s10] =	ssyncset.done $0x0  }
0x6c: {  	s5 =	rddreg [dreg:$0xb];
	[sflag:s10] =	ssyncadd.s32 $0xFFFFF000  }
0x6d: {  	[spmem:s5] =	stream.linear.scatter [tilespmem:s1], [sflag:$0x9], $0x1000, $0x38;
	v63 =	vld [tilespmem:$0x0]  }
0x6e: {  	_ =	swait.ge [sflag:s10], $0x1000  }
0x6f: {  	[sflag:s10] =	ssyncset.done $0x0  }
0x70: {  	s8 =	rddreg [dreg:$0x10];
	[sflag:s10] =	ssyncadd.s32 $0xFFFFF000  }
0x71: {  	[spmem:s8] =	stream.linear.scatter [tilespmem:s1], [sflag:$0x9], $0x1000, $0x38;
	v63 =	vld [tilespmem:$0x0]  }
0x72: {  	_ =	swait.ge [sflag:s10], $0x1000  }
0x73: {  	[sflag:s10] =	ssyncset.done $0x0  }
0x74: {  	s5 =	rddreg [dreg:$0x14];
	[sflag:s10] =	ssyncadd.s32 $0xFFFFF000  }
0x75: {  	[spmem:s5] =	stream.linear.scatter [tilespmem:s1], [sflag:$0x9], $0x1000, $0x38;
	v63 =	vld [tilespmem:$0x0]  }
0x76: {  	_ =	swait.ge [sflag:s10], $0x1000  }
0x77: {  	[sflag:s10] =	ssyncset.done $0x0  }
0x78: {  	s8 =	rddreg [dreg:$0x15];
	[sflag:s10] =	ssyncadd.s32 $0xFFFFF000  }
0x79: {  	[spmem:s8] =	stream.linear.scatter [tilespmem:s1], [sflag:$0x9], $0x1000, $0x38;
	v63 =	vld [tilespmem:$0x0]  }
0x7a: {  	_ =	swait.ge [sflag:s10], $0x1000  }
0x7b: {  	[sflag:s10] =	ssyncset.done $0x0  }
0x7c: {  	s5 =	rddreg [dreg:$0x16];
	[sflag:s10] =	ssyncadd.s32 $0xFFFFF000  }
0x7d: {  	[spmem:s5] =	stream.linear.scatter [tilespmem:s1], [sflag:$0x9], $0x1000, $0x38;
	v63 =	vld [tilespmem:$0x0]  }
0x7e: {  	_ =	swait.ge [sflag:s10], $0x1000  }
0x7f: {  	[sflag:s10] =	ssyncset.done $0x0  }
0x80: {  	s8 =	rddreg [dreg:$0x17];
	[sflag:s10] =	ssyncadd.s32 $0xFFFFF000  }
0x81: {  	[spmem:s8] =	stream.linear.scatter [tilespmem:s1], [sflag:$0x9], $0x1000, $0x38;
	v63 =	vld [tilespmem:$0x0]  }
0x82: {  	_ =	swait.ge [sflag:s10], $0x1000  }
0x83: {  	[sflag:s10] =	ssyncset.done $0x0  }
0x84: {  	s5 =	rddreg [dreg:$0x18];
	[sflag:s10] =	ssyncadd.s32 $0xFFFFF000  }
0x85: {  	[spmem:s5] =	stream.linear.scatter [tilespmem:s1], [sflag:$0x9], $0x1000, $0x38;
	v63 =	vld [tilespmem:$0x0]  }
0x86: {  	_ =	swait.ge [sflag:s10], $0x1000  }
0x87: {  	[sflag:s10] =	ssyncset.done $0x0  }
0x88: {  	s8 =	rddreg [dreg:$0x19];
	[sflag:s10] =	ssyncadd.s32 $0xFFFFF000  }
0x89: {  	[spmem:s8] =	stream.linear.scatter [tilespmem:s1], [sflag:$0x9], $0x1000, $0x38;
	v63 =	vld [tilespmem:$0x0]  }
0x8a: {  	_ =	swait.ge [sflag:s10], $0x1000  }
0x8b: {  	[sflag:s10] =	ssyncset.done $0x0  }
0x8c: {  	s5 =	rddreg [dreg:$0x1a];
	[sflag:s10] =	ssyncadd.s32 $0xFFFFF000  }
0x8d: {  	[spmem:s5] =	stream.linear.scatter [tilespmem:s1], [sflag:$0x9], $0x1000, $0x38;
	v63 =	vld [tilespmem:$0x0]  }
0x8e: {  	_ =	swait.ge [sflag:s10], $0x1000  }
0x8f: {  	[sflag:s10] =	ssyncset.done $0x0  }
0x90: {  	s8 =	rddreg [dreg:$0x1b];
	[sflag:s10] =	ssyncadd.s32 $0xFFFFF000  }
0x91: {  	[spmem:s8] =	stream.linear.scatter [tilespmem:s1], [sflag:$0x9], $0x1000, $0x38;
	v63 =	vld [tilespmem:$0x0]  }
0x92: {  	_ =	swait.ge [sflag:s10], $0x1000  }
0x93: {  	[sflag:s10] =	ssyncset.done $0x0  }
0x94: {  	s5 =	rddreg [dreg:$0x1c];
	[sflag:s10] =	ssyncadd.s32 $0xFFFFF000  }
0x95: {  	[spmem:s5] =	stream.linear.scatter [tilespmem:s1], [sflag:$0x9], $0x1000, $0x38;
	v63 =	vld [tilespmem:$0x0]  }
0x96: {  	_ =	swait.ge [sflag:s10], $0x1000  }
0x97: {  	[sflag:s10] =	ssyncset.done $0x0  }
0x98: {  	s8 =	rddreg [dreg:$0x1d];
	[sflag:s10] =	ssyncadd.s32 $0xFFFFF000  }
0x99: {  	[spmem:s8] =	stream.linear.scatter [tilespmem:s1], [sflag:$0x9], $0x1000, $0x38;
	v63 =	vld [tilespmem:$0x0]  }
0x9a: {  	_ =	swait.ge [sflag:s10], $0x1000  }
0x9b: {  	[sflag:s10] =	ssyncset.done $0x0  }
0x9c: {  	[sflag:s10] =	ssyncadd.s32 $0xFFFFF000  }
0x9d: {  	[spmem:s9] =	stream.linear.scatter [tilespmem:s1], [sflag:$0x9], $0xC00, $0x38;
	v63 =	vld [tilespmem:$0x0]  }
0x9e: {  	_ =	swait.ge [sflag:s10], $0xC00  }
0x9f: {  	[sflag:s10] =	ssyncset.done $0x0  }
0xa0: {  	[sflag:s10] =	ssyncadd.s32 $0xFFFFF400  }
0xa1: {  	[bflag:$0x0] =	sbarrier.arrive $0xFFFF  }
0xa2: {  	s5 =	rddreg [dreg:$0xc]  }
0xa3: {  	[tilespmem:s11], [sflag:$0x9] =	stream.linear.gather [hbm4b:s5+s1], $0x20, $0x38;
	v63 =	vld [tilespmem:$0x0]  }
0xa4: {  	_ =	swait.ge [sflag:s10], $0x20  }
0xa5: {  	[sflag:s10] =	ssyncset.done $0x0  }
0xa6: {  	s8 =	rddreg [dreg:$0xd];
	[sflag:s10] =	ssyncadd.s32 $0xFFFFFFE0  }
0xa7: {  	[tilespmem:s12], [sflag:$0x9] =	stream.linear.gather [hbm4b:s8+s1], $0x20, $0x38;
	v63 =	vld [tilespmem:$0x0]  }
0xa8: {  	_ =	swait.ge [sflag:s10], $0x20  }
0xa9: {  	[sflag:s10] =	ssyncset.done $0x0  }
0xaa: {  	s5 =	rddreg [dreg:$0xe];
	[sflag:s10] =	ssyncadd.s32 $0xFFFFFFE0  }
0xab: {  	[tilespmem:s13], [sflag:$0x9] =	stream.linear.gather [hbm4b:s5+s1], $0x20, $0x38;
	v63 =	vld [tilespmem:$0x0]  }
0xac: {  	_ =	swait.ge [sflag:s10], $0x20  }
0xad: {  	[sflag:s10] =	ssyncset.done $0x0  }
0xae: {  	s8 =	rddreg [dreg:$0xf];
	[sflag:s10] =	ssyncadd.s32 $0xFFFFFFE0  }
0xaf: {  	[tilespmem:s14], [sflag:$0x9] =	stream.linear.gather [hbm4b:s8+s1], $0x20, $0x38;
	v63 =	vld [tilespmem:$0x0]  }
0xb0: {  	_ =	swait.ge [sflag:s10], $0x20  }
0xb1: {  	[sflag:s10] =	ssyncset.done $0x0  }
0xb2: {  	[sflag:s10] =	ssyncadd.s32 $0xFFFFFFE0  }
0xb3: {  	v3 =	vld [tilespmem:$0x2000];
	_ =	sdelay $0x1  }
0xb4: {  	v4 =	vld [tilespmem:$0x2010]  }
0xb5: {  	v5 =	vld [tilespmem:$0x2200];
	_ =	sdelay $0x1  }
0xb6: {  	v6 =	vld [tilespmem:$0x2210];
	v3 =	vsub.s32 v3, v0  }
0xb7: {  	vm0 =	vlt.u32 v3, $0x1400  }
0xb8: {  	v4 =	vsub.s32 v4, v0;
	v3 =	vnsel vm0, $0x0, v3  }
0xb9: {  	vm15 =	vlt.u32 v4, $0x1400;
	[tilespmem:$0x2000] =	vst v3;
	v3 =	vsel vm0, v5, v2  }
0xba: {  	[tilespmem:$0x2200] =	vst v3;
	v3 =	vnsel vm15, $0x0, v4  }
0xbb: {  	[tilespmem:$0x2010] =	vst v3;
	v3 =	vsel vm15, v6, v2  }
0xbc: {  	[tilespmem:$0x2210] =	vst v3  }
0xbd: {  	[tilespmem:s1], [sflag:$0x1] =	stream.indirect.gather [spmem:s2], $0x80, s11, s15, $0xb8;
	v63 =	vld [tilespmem:$0x0]  }
.LBB2_4:
0xbe: {  	_ =	swait.ge [sflag:s16], $0x1000  }
0xbf: {  	p0 =	seq.s32 s1, $0x0;
	[sflag:s16] =	ssyncset.done $0x0  }
0xc0: {  	s0 =	simm.s32 @!p0 $0x4;
	[sflag:s16] =	ssyncadd.s32 $0xFFFFF000  }
0xc1: {  	[spmem:s3] =	stream.indirect.scatter.add.f32 [tilespmem:s4], [sflag:$0x3], $0x80, s12, s15, $0xb8;
	v63 =	vld [tilespmem:$0x0]  }
0xc2: {  	_ =	swait.ge @!p0 [sflag:s0], $0x1000  }
0xc3: {  	[sflag:s0] =	ssyncset.done @!p0 $0x0  }
0xc4: {  	[sflag:s0] =	ssyncadd.s32 @!p0 $0xFFFFF000;
	s0 =	simm.s32 @!p0 $0x6  }
0xc5: {  	_ =	swait.ge @!p0 [sflag:s0], $0x20  }
0xc6: {  	[sflag:s0] =	ssyncset.done @!p0 $0x0  }
0xc7: {  	[sflag:s0] =	ssyncadd.s32 @!p0 $0xFFFFFFE0  }
0xc8: {  	_ =	swait.ge @!p0 [sflag:s0], $0x20  }
0xc9: {  	[sflag:s0] =	ssyncset.done @!p0 $0x0  }
0xca: {  	[sflag:s0] =	ssyncadd.s32 @!p0 $0xFFFFFFE0  }
0xcb: {  	v3 =	vld [tilespmem:$0x2080];
	_ =	sdelay $0x1  }
0xcc: {  	v4 =	vld [tilespmem:$0x2090]  }
0xcd: {  	v5 =	vld [tilespmem:$0x2280];
	_ =	sdelay $0x1  }
0xce: {  	v6 =	vld [tilespmem:$0x2290];
	v3 =	vsub.s32 v3, v0  }
0xcf: {  	vm0 =	vlt.u32 v3, $0x1400  }
0xd0: {  	v4 =	vsub.s32 v4, v0;
	v3 =	vnsel vm0, $0x0, v3  }
0xd1: {  	vm11 =	vlt.u32 v4, $0x1400;
	[tilespmem:$0x2080] =	vst v3;
	v3 =	vsel vm0, v5, v2  }
0xd2: {  	[tilespmem:$0x2280] =	vst v3;
	v3 =	vnsel vm11, $0x0, v4  }
0xd3: {  	[tilespmem:$0x2090] =	vst v3;
	v3 =	vsel vm11, v6, v2  }
0xd4: {  	s0 =	sadd.s32 s1, s20;
	[tilespmem:$0x2290] =	vst v3  }
0xd5: {  	[tilespmem:s17], [sflag:$0x2] =	stream.indirect.gather [spmem:s2], $0x80, s13, s15, $0xb8;
	v63 =	vld [tilespmem:$0x0]  }
0xd6: {  	s5 =	sadd.s32 $0x8, s0  }
0xd7: {  	[tilespmem:s18], [sflag:$0x7] =	stream.linear.gather [hbm4b:s5+s4], $0x20, $0x38;
	v63 =	vld [tilespmem:$0x0]  }
0xd8: {  	s5 =	sadd.s32 s1, s19  }
0xd9: {  	s8 =	sadd.s32 $0x8, s5  }
0xda: {  	[tilespmem:s21], [sflag:$0x7] =	stream.linear.gather [hbm4b:s8+s4], $0x20, $0x38;
	v63 =	vld [tilespmem:$0x0]  }
0xdb: {  	_ =	swait.ge [sflag:s22], $0x1000  }
0xdc: {  	[sflag:s22] =	ssyncset.done $0x0  }
0xdd: {  	[sflag:s22] =	ssyncadd.s32 $0xFFFFF000  }
0xde: {  	[spmem:s3] =	stream.indirect.scatter.add.f32 [tilespmem:s17], [sflag:$0x4], $0x80, s14, s15, $0xb8;
	v63 =	vld [tilespmem:$0x0]  }
0xdf: {  	_ =	swait.ge [sflag:s23], $0x1000  }
0xe0: {  	[sflag:s23] =	ssyncset.done $0x0  }
0xe1: {  	[sflag:s23] =	ssyncadd.s32 $0xFFFFF000  }
0xe2: {  	_ =	swait.ge [sflag:s24], $0x20  }
0xe3: {  	[sflag:s24] =	ssyncset.done $0x0  }
0xe4: {  	[sflag:s24] =	ssyncadd.s32 $0xFFFFFFE0  }
0xe5: {  	_ =	swait.ge [sflag:s24], $0x20  }
0xe6: {  	[sflag:s24] =	ssyncset.done $0x0  }
0xe7: {  	[sflag:s24] =	ssyncadd.s32 $0xFFFFFFE0  }
0xe8: {  	v3 =	vld [tilespmem:$0x2100];
	_ =	sdelay $0x1  }
0xe9: {  	v57 =	vld [tilespmem:$0x2110]  }
0xea: {  	v58 =	vld [tilespmem:$0x2300];
	_ =	sdelay $0x1  }
0xeb: {  	v59 =	vld [tilespmem:$0x2310];
	v3 =	vsub.s32 v3, v0  }
0xec: {  	vm12 =	vlt.u32 v3, $0x1400  }
0xed: {  	v4 =	vsub.s32 v57, v0;
	v3 =	vnsel vm12, $0x0, v3  }
0xee: {  	vm13 =	vlt.u32 v4, $0x1400;
	[tilespmem:$0x2100] =	vst v3;
	v3 =	vsel vm12, v58, v2  }
0xef: {  	[tilespmem:$0x2300] =	vst v3;
	v3 =	vnsel vm13, $0x0, v4  }
0xf0: {  	[tilespmem:$0x2110] =	vst v3;
	v3 =	vsel vm13, v59, v2  }
0xf1: {  	[tilespmem:$0x2310] =	vst v3  }
0xf2: {  	[tilespmem:s4], [sflag:$0x1] =	stream.indirect.gather [spmem:s2], $0x80, s18, s15, $0xb8;
	v63 =	vld [tilespmem:$0x0]  }
0xf3: {  	s8 =	sadd.s32 $0xC, s0  }
0xf4: {  	[tilespmem:s25], [sflag:$0x8] =	stream.linear.gather [hbm4b:s8+s4], $0x20, $0x38;
	v63 =	vld [tilespmem:$0x0]  }
0xf5: {  	s8 =	sadd.s32 $0xC, s5  }
0xf6: {  	[tilespmem:s26], [sflag:$0x8] =	stream.linear.gather [hbm4b:s8+s4], $0x20, $0x38;
	v63 =	vld [tilespmem:$0x0]  }
0xf7: {  	_ =	swait.ge [sflag:s16], $0x1000  }
0xf8: {  	[sflag:s16] =	ssyncset.done $0x0  }
0xf9: {  	[sflag:s16] =	ssyncadd.s32 $0xFFFFF000  }
0xfa: {  	[spmem:s3] =	stream.indirect.scatter.add.f32 [tilespmem:s4], [sflag:$0x3], $0x80, s21, s15, $0xb8;
	v63 =	vld [tilespmem:$0x0]  }
0xfb: {  	_ =	swait.ge [sflag:s28], $0x1000  }
0xfc: {  	[sflag:s28] =	ssyncset.done $0x0  }
0xfd: {  	[sflag:s28] =	ssyncadd.s32 $0xFFFFF000  }
0xfe: {  	_ =	swait.ge [sflag:s29], $0x20  }
0xff: {  	[sflag:s29] =	ssyncset.done $0x0  }
0x100: {  	[sflag:s29] =	ssyncadd.s32 $0xFFFFFFE0  }
0x101: {  	_ =	swait.ge [sflag:s29], $0x20  }
0x102: {  	[sflag:s29] =	ssyncset.done $0x0  }
0x103: {  	[sflag:s29] =	ssyncadd.s32 $0xFFFFFFE0  }
0x104: {  	v3 =	vld [tilespmem:$0x2180];
	_ =	sdelay $0x1  }
0x105: {  	v60 =	vld [tilespmem:$0x2190]  }
0x106: {  	v61 =	vld [tilespmem:$0x2380];
	_ =	sdelay $0x1  }
0x107: {  	v62 =	vld [tilespmem:$0x2390];
	v3 =	vsub.s32 v3, v0  }
0x108: {  	vm14 =	vlt.u32 v3, $0x1400  }
0x109: {  	p0 =	seq.s32 s1, $0x9D0;
	v4 =	vsub.s32 v60, v0;
	v3 =	vnsel vm14, $0x0, v3  }
.Ltmp3:
0x10a: {  	vm15 =	vlt.u32 v4, $0x1400;
	[tilespmem:$0x2180] =	vst v3;
	v3 =	vsel vm14, v61, v2;
	(pc) =	sbr.rel @p0 .LBB2_6-.Ltmp3, $4  }
0x10b: {  	[tilespmem:$0x2380] =	vst v3;
	v3 =	vnsel vm15, $0x0, v4  }
0x10c: {  	[tilespmem:$0x2190] =	vst v3;
	v3 =	vsel vm15, v62, v2  }
0x10d: {  	[tilespmem:$0x2390] =	vst v3  }
0x10e: {  	[tilespmem:s17], [sflag:$0x2] =	stream.indirect.gather [spmem:s2], $0x80, s25, s15, $0xb8;
	v63 =	vld [tilespmem:$0x0]  }
0x10f: {  	s8 =	sadd.s32 $0x10, s0  }
0x110: {  	[tilespmem:s11], [sflag:$0x5] =	stream.linear.gather [hbm4b:s8+s4], $0x20, $0x38;
	v63 =	vld [tilespmem:$0x0]  }
0x111: {  	s8 =	sadd.s32 $0x10, s5  }
0x112: {  	[tilespmem:s12], [sflag:$0x5] =	stream.linear.gather [hbm4b:s8+s4], $0x20, $0x38;
	v63 =	vld [tilespmem:$0x0]  }
0x113: {  	_ =	swait.ge [sflag:s22], $0x1000  }
0x114: {  	[sflag:s22] =	ssyncset.done $0x0  }
0x115: {  	[sflag:s22] =	ssyncadd.s32 $0xFFFFF000  }
0x116: {  	[spmem:s3] =	stream.indirect.scatter.add.f32 [tilespmem:s17], [sflag:$0x4], $0x80, s26, s15, $0xb8;
	v63 =	vld [tilespmem:$0x0]  }
0x117: {  	_ =	swait.ge [sflag:s23], $0x1000  }
0x118: {  	[sflag:s23] =	ssyncset.done $0x0  }
0x119: {  	[sflag:s23] =	ssyncadd.s32 $0xFFFFF000  }
0x11a: {  	_ =	swait.ge [sflag:s30], $0x20  }
0x11b: {  	[sflag:s30] =	ssyncset.done $0x0  }
0x11c: {  	[sflag:s30] =	ssyncadd.s32 $0xFFFFFFE0  }
0x11d: {  	_ =	swait.ge [sflag:s30], $0x20  }
0x11e: {  	[sflag:s30] =	ssyncset.done $0x0  }
0x11f: {  	[sflag:s30] =	ssyncadd.s32 $0xFFFFFFE0  }
0x120: {  	v3 =	vld [tilespmem:$0x2000];
	_ =	sdelay $0x1  }
0x121: {  	v4 =	vld [tilespmem:$0x2010]  }
0x122: {  	v5 =	vld [tilespmem:$0x2200];
	_ =	sdelay $0x1  }
0x123: {  	v6 =	vld [tilespmem:$0x2210];
	v3 =	vsub.s32 v3, v0  }
0x124: {  	vm0 =	vlt.u32 v3, $0x1400  }
0x125: {  	v4 =	vsub.s32 v4, v0;
	v3 =	vnsel vm0, $0x0, v3  }
0x126: {  	vm15 =	vlt.u32 v4, $0x1400;
	[tilespmem:$0x2000] =	vst v3;
	v3 =	vsel vm0, v5, v2  }
0x127: {  	[tilespmem:$0x2200] =	vst v3;
	v3 =	vnsel vm15, $0x0, v4  }
0x128: {  	[tilespmem:$0x2010] =	vst v3;
	v3 =	vsel vm15, v6, v2  }
0x129: {  	[tilespmem:$0x2210] =	vst v3  }
0x12a: {  	[tilespmem:s4], [sflag:$0x1] =	stream.indirect.gather [spmem:s2], $0x80, s11, s15, $0xb8;
	v63 =	vld [tilespmem:$0x0]  }
.Ltmp4:
0x12b: {  	_ = 	snop;
	(pc) =	sbr.rel .LBB2_4-.Ltmp4, $4  }
0x12c: {  	s8 =	sadd.s32 $0x14, s0  }
0x12d: {  	[tilespmem:s13], [sflag:$0x6] =	stream.linear.gather [hbm4b:s8+s4], $0x20, $0x38;
	v63 =	vld [tilespmem:$0x0]  }
0x12e: {  	s1 =	sadd.s32 $0x10, s1;
	s8 =	sadd.s32 $0x14, s5  }
0x12f: {  	[tilespmem:s14], [sflag:$0x6] =	stream.linear.gather [hbm4b:s8+s4], $0x20, $0x38;
	v63 =	vld [tilespmem:$0x0]  }
.LBB2_7:
0x130: {  	_ =	sfence.sel $0x180000  }
0x131: {  	[bflag:$0x0] =	sbarrier.arrive $0xFFFF  }
0x132: {  	_ =	strace $0x9000004A  }
0x133: {  	s0 =	stileid.u32;
	[bflag:$0x2] =	sbarrier.arrive $0xFFFF  }
0x134: {  	p0 =	sne.s32 s0, $0x0;
	s0 =	rddreg [dreg:$0x3]  }
0x135: {  	s0 =	sadd.s32 @!p0 $0x100000, s0  }
0x136: {  	[sflag:s0] =	ssyncadd.tile.s32 @!p0 $0x1;
	_ =	shalt  }
.Lfunc_end2:
_tile_overlayer_lowered:
.L_overlay_start_2:
0x137: {  	(tag) =	ssettag $0x2  }
0x138: {  	s0 =	rddreg [dreg:$0x0];
	s2 =	stileid.u32  }
0x139: {  	s1 =	rddreg [dreg:$0x1];
	p0 =	sne.s32 s2, $0x0  }
0x13a: {  	s3 =	rddreg [dreg:$0x2];
	[bflag:$0x3] =	sbarrier.arrive $0xFFFF;
	s2 =	simm.s32 @!p0 $0x1C09  }
0x13b: {  	[timem:s3], [sflag:s2] =	dma.local @!p0 [hbm:s0], s1  }
0x13c: {  	s0 =	simm.s32 @!p0 $0x9  }
0x13d: {  	_ =	swait.ge @!p0 [sflag:s0], s1  }
0x13e: {  	s1 =	ssub.s32 @!p0 $0x0, s1;
	[sflag:s0] =	ssyncset.done @!p0 $0x0  }
0x13f: {  	[sflag:s0] =	ssyncadd.s32 @!p0 s1  }
0x140: {  	[bflag:$0x3] =	sbarrier.arrive $0xFFFF  }
0x141: {  	_ =	shalt  }

// kernel: kernel.7.cloned.1.call-start
scs
__scs_entry_jumppad:
0x0: {  	(pc) =	sbr.rel $0x88, $3  }
0x1: {  	(tag) =	ssettag $0x0;
	lr =	simm.s32 $0x1  }
0x2: {  	[smem:$0x3F9B] =	sst lr;
	_ =	strace $0xD0000000  }
0x3: {  	_ = 	snop  }
0x4: {  	_ = 	snop  }
0x5: {  	_ = 	snop  }
0x6: {  	_ = 	snop  }
0x7: {  	_ = 	snop  }
__scs_overlays_trampoline_lowered:
0x8: {  	[smem:$0x3FAA] =	sst s0  }
0x9: {  	[smem:$0x3FAB] =	sst s1  }
0xa: {  	[smem:$0x3FAC] =	sst s2  }
0xb: {  	[smem:$0x3FAD] =	sst s3  }
0xc: {  	[smem:$0x3FAE] =	sst s4  }
0xd: {  	[smem:$0x3FAF] =	sst s5  }
0xe: {  	[smem:$0x3FB0] =	sst s6  }
0xf: {  	[smem:$0x3FB1] =	sst s7  }
0x10: {  	[smem:$0x3FB2] =	sst s8  }
0x11: {  	[smem:$0x3FB3] =	sst s9;
	s0 =	simm.s32 @!p0 $0x0  }
0x12: {  	s1 =	sld [smem:$0x3F99];
	s0 =	simm.s32 @p0 $0x1  }
0x13: {  	[smem:$0x3FB4] =	sst s0;
	s0 =	simm.s32 @!p1 $0x0  }
0x14: {  	s2 =	sld [smem:$0x3F98];
	s0 =	simm.s32 @p1 $0x1  }
0x15: {  	[smem:$0x3FB5] =	sst s0;
	s0 =	simm.s32 @!p2 $0x0  }
0x16: {  	s3 =	sld [smem:$0x3FDB];
	s0 =	simm.s32 @p2 $0x1  }
0x17: {  	s4 =	simm.s32 $0x1BF5;
	[smem:$0x3FB7] =	sst s0  }
0x18: {  	s0 =	sld [smem:$0x3F9A];
	_ =	swait.ge [sflag:s4], $0x0  }
0x19: {  	s7 =	sld [smem:$0x3F9B]  }
0x1a: {  	s8 =	sadd.s32 $0xFFFFE003, lr  }
0x1b: {  	s9 =	sadd.s32 $0xFFFFFEF7, lr;
	s5 =	simm.s32 $0xFFFFFFFF;
	p2 =	slt.u32 s8, $0xFFFFF086  }
0x1c: {  	p1 =	slt.u32 s9, $0xF7A;
	s5 =	simm.s32 @!p2 $0x0  }
0x1d: {  	s5 =	simm.s32 @p1 $0x1;
	p0 =	seq.s32 s7, s2  }
0x1e: {  	s7 =	smul.u32 @!p0 $0xF7A, s2;
	p2 =	seq.s32 @!p0 s5, $0x0  }
0x1f: {  	s9 =	smul.u32 $0xF7A, s1;
	s8 =	simm.s32 @!p0 $0x1BF5;
	p2 =	por !p2, p0  }
0x20: {  	[sflag:s8] =	ssyncset.s32 @!p0 $0xFFFFF086;
	s6 =	sadd.s32 @!p0 s3, s7;
	s7 =	simm.s32 @!p0 $0x108  }
0x21: {  	s3 =	sadd.s32 s3, s9;
	s6 =	sadd.s32 @!p0 $0x88, s6;
	s7 =	simm.s32 @p2 $0x1082  }
0x22: {  	[simem:s7], [sflag:s8] =	dma.local @!p0 [hbm:s6], $0xF7A  }
0x23: {  	s9 =	sor.u32 $0xD0000000, s2;
	s6 =	simm.s32 $0x108;
	_ =	swait.ge @!p0 [sflag:s8], $0x0  }
0x24: {  	s3 =	sadd.s32 $0x88, s3;
	s6 =	simm.s32 @!p1 $0x1082;
	[sflag:s4] =	ssyncset.s32 $0xFFFFF086  }
0x25: {  	[simem:s6], [sflag:s4] =	dma.local [hbm:s3], $0xF7A  }
0x26: {  	[smem:$0x3F9B] =	sst s1;
	(tag) =	ssettag s2;
	_ =	strace s9  }
0x27: {  	s1 =	sld [smem:$0x3FAB]  }
0x28: {  	s2 =	sld [smem:$0x3FAC]  }
0x29: {  	s4 =	sld [smem:$0x3FAE]  }
0x2a: {  	p0 =	seq.s32 s5, $0x0;
	s5 =	sld [smem:$0x3FAF]  }
0x2b: {  	s6 =	sld [smem:$0x3FB0]  }
0x2c: {  	s7 =	sld [smem:$0x3FB1]  }
0x2d: {  	s3 =	simm.s32 $0x108;
	s8 =	sld [smem:$0x3FB2]  }
0x2e: {  	s3 =	simm.s32 @!p0 $0x1082;
	s9 =	sld [smem:$0x3FB3]  }
0x2f: {  	lr =	sadd.s32 s0, s3;
	s0 =	sld [smem:$0x3FAA]  }
0x30: {  	s3 =	sld [smem:$0x3FAD]  }
0x31: {  	[smem:$0x3FB6] =	sst s10  }
0x32: {  	s10 =	sld [smem:$0x3FB4];
	_ =	sdelay $0x3  }
0x33: {  	p0 =	seq.s32 s10, $0x1;
	s10 =	sld [smem:$0x3FB6];
	_ =	sdelay $0x3  }
0x34: {  	[smem:$0x3FB6] =	sst s10  }
0x35: {  	s10 =	sld [smem:$0x3FB5];
	_ =	sdelay $0x3  }
0x36: {  	p1 =	seq.s32 s10, $0x1;
	s10 =	sld [smem:$0x3FB6];
	_ =	sdelay $0x3  }
0x37: {  	[smem:$0x3FB6] =	sst s10  }
0x38: {  	s10 =	sld [smem:$0x3FB7]  }
0x39: {  	_ = 	snop;
	(pc) =	sbr.ind lr, $3  }
0x3a: {  	_ = 	snop  }
0x3b: {  	_ = 	snop  }
0x3c: {  	p2 =	seq.s32 s10, $0x1;
	s10 =	sld [smem:$0x3FB6]  }
0x3d: {  	_ =	shalt  }
0x3e: {  	_ =	shalt  }
0x3f: {  	_ =	shalt  }
0x40: {  	_ =	shalt  }
0x41: {  	_ =	shalt  }
0x42: {  	_ =	shalt  }
0x43: {  	_ =	shalt  }
0x44: {  	_ =	shalt  }
0x45: {  	_ =	shalt  }
0x46: {  	_ =	shalt  }
0x47: {  	_ =	shalt  }
0x48: {  	_ =	shalt  }
0x49: {  	_ =	shalt  }
0x4a: {  	_ =	shalt  }
0x4b: {  	_ =	shalt  }
0x4c: {  	_ =	shalt  }
0x4d: {  	_ =	shalt  }
0x4e: {  	_ =	shalt  }
0x4f: {  	_ =	shalt  }
0x50: {  	_ =	shalt  }
0x51: {  	_ =	shalt  }
0x52: {  	_ =	shalt  }
0x53: {  	_ =	shalt  }
0x54: {  	_ =	shalt  }
0x55: {  	_ =	shalt  }
0x56: {  	_ =	shalt  }
0x57: {  	_ =	shalt  }
0x58: {  	_ =	shalt  }
0x59: {  	_ =	shalt  }
0x5a: {  	_ =	shalt  }
0x5b: {  	_ =	shalt  }
0x5c: {  	_ =	shalt  }
0x5d: {  	_ =	shalt  }
0x5e: {  	_ =	shalt  }
0x5f: {  	_ =	shalt  }
0x60: {  	_ =	shalt  }
0x61: {  	_ =	shalt  }
0x62: {  	_ =	shalt  }
0x63: {  	_ =	shalt  }
0x64: {  	_ =	shalt  }
0x65: {  	_ =	shalt  }
0x66: {  	_ =	shalt  }
0x67: {  	_ =	shalt  }
0x68: {  	_ =	shalt  }
0x69: {  	_ =	shalt  }
0x6a: {  	_ =	shalt  }
0x6b: {  	_ =	shalt  }
0x6c: {  	_ =	shalt  }
0x6d: {  	_ =	shalt  }
0x6e: {  	_ =	shalt  }
0x6f: {  	_ =	shalt  }
0x70: {  	_ =	shalt  }
0x71: {  	_ =	shalt  }
0x72: {  	_ =	shalt  }
0x73: {  	_ =	shalt  }
0x74: {  	_ =	shalt  }
0x75: {  	_ =	shalt  }
0x76: {  	_ =	shalt  }
0x77: {  	_ =	shalt  }
0x78: {  	_ =	shalt  }
0x79: {  	_ =	shalt  }
0x7a: {  	_ =	shalt  }
0x7b: {  	_ =	shalt  }
0x7c: {  	_ =	shalt  }
0x7d: {  	_ =	shalt  }
0x7e: {  	_ =	shalt  }
0x7f: {  	_ =	shalt  }
0x80: {  	_ =	shalt  }
0x81: {  	_ =	shalt  }
0x82: {  	_ =	shalt  }
0x83: {  	_ =	shalt  }
0x84: {  	_ =	shalt  }
0x85: {  	_ =	shalt  }
0x86: {  	_ =	shalt  }
0x87: {  	_ =	shalt  }
.Lfunc_end0:
.L_simem_size_0:
called_computation_lowered:
.L_overlay_start_0:
0x88: {  	s2 =	sld [smem:$0x3FD9]  }
0x89: {  	s3 =	sld [smem:$0x3FFE];
	_ =	sdelay $0x1  }
0x8a: {  	s1 =	srdreg.scid  }
0x8b: {  	s0 =	sand.u32 $0x1, s1  }
0x8c: {  	s16 =	sshll.u32 s0, $0xA;
	s2 =	sadd.s32 s3, s2  }
0x8d: {  	s2 =	sadd.s32 s2, s16  }
0x8e: {  	[smem:$0x3FC2] =	sst s2  }
0x8f: {  	_ = 	snop  }
0x90: {  	(tm) =	ssettm $0x1  }
0x91: {  	s17 =	sld [smem:$0x3FFB];
	_ =	sdelay $0x3  }
0x92: {  	_ =	strace s17  }
0x93: {  	s2 =	sld [smem:$0x3FFC];
	_ =	sdelay $0x3  }
0x94: {  	_ =	strace s2  }
0x95: {  	s2 =	sld [smem:$0x3FFD];
	_ =	sdelay $0x3  }
0x96: {  	_ =	strace s2  }
0x97: {  	_ =	strace $0x8FFFFFFF  }
0x98: {  	s18 =	sld [smem:$0x3FDB];
	_ =	sdelay $0x1  }
0x99: {  	s19 =	simm.s32 $_scs_section_size  }
0x9a: {  	s4 =	simm.s32 $_size__tile_overlayer_lowered;
	s5 =	simm.s32 $_tile_overlayer_lowered  }
0x9b: {  	s22 =	simm.s32 $0x1BFF;
	s21 =	sshll.u32 s5, $0x1;
	s2 =	sadd.s32 s19, s18  }
0x9c: {  	s6 =	simm.s32 $0x0;
	s20 =	sshll.u32 s4, $0x1;
	s4 =	sadd.s32 s21, s2  }
0x9d: {  	[timem:s6], [sflag:s22] =	dma.local [hbm:s4], s20  }
0x9e: {  	_ =	swait.ge [sflag:s22], s20  }
0x9f: {  	s3 =	ssub.s32 $0x0, s20;
	[sflag:s22] =	ssyncset.done $0x0  }
0xa0: {  	[sflag:s22] =	ssyncadd.s32 s3;
	_ =	sdelay $0x1  }
0xa1: {  	s23 =	simm.s32 $0x1B8B  }
0xa2: {  	_ =	swait.ge [sflag:s23], $0x1  }
0xa3: {  	[sflag:s23] =	ssyncset.done $0x0  }
0xa4: {  	s25 =	simm.s32 $0x1B8E;
	s24 =	sld [smem:$0x3FFE];
	[sflag:s23] =	ssyncadd.s32 $0xFFFFFFFF  }
0xa5: {  	s26 =	simm.s32 $execute0_lowered;
	[smem:$0x3FD2] =	sst s25  }
0xa6: {  	s4 =	sshll.u32 s26, $0x1;
	_ =	strace $0x80000046;
	[dreg:$0x1] =	wrdreg $0xFFFFFFFF  }
0xa7: {  	s28 =	simm.s32 $_size_execute0_lowered;
	s2 =	sadd.s32 s2, s4;
	[dreg:$0x0] =	wrdreg $0x0  }
0xa8: {  	s4 =	sshll.u32 s28, $0x1;
	[dreg:$0x2] =	wrdreg s2  }
0xa9: {  	[dreg:$0x3] =	wrdreg s4  }
0xaa: {  	[dreg:$0x4] =	wrdreg $0xC0  }
0xab: {  	_ =	task [dreg:s6], $0x5FFFF  }
0xac: {  	[dreg:$0x1] =	wrdreg $0xFFFFFFFF  }
0xad: {  	[dreg:$0x0] =	wrdreg $0x60  }
0xae: {  	[dreg:$0x2] =	wrdreg s24  }
0xaf: {  	[dreg:$0x3] =	wrdreg $0x9  }
0xb0: {  	_ =	task.clear_ibuf [dreg:s6], $0x4FFFF;
	_ =	strace $0x90000046  }
0xb1: {  	s29 =	simm.s32 $0x9;
	_ =	strace $0x80000048  }
0xb2: {  	_ =	swait.ge [sflag:s29], $0x1  }
0xb3: {  	[sflag:s29] =	ssyncadd.s32 $0xFFFFFFFF  }
0xb4: {  	_ =	strace $0x90000048  }
0xb5: {  	_ =	sfence  }
0xb6: {  	s30 =	sld [smem:$0x0];
	_ =	sdelay $0x2  }
0xb7: {  	s31 =	sshll.u32 s1, $0xD;
	s1 =	sshrl.u32 s1, $0x2  }
0xb8: {  	s3 =	sand.u32 $0x4000, s31;
	s1 =	sadd.s32 s1, s30  }
0xb9: {  	s0 =	sor.u32 s3, s0;
	s1 =	sshll.u32 s1, $0x11  }
0xba: {  	s0 =	sor.u32 s1, s0  }
0xbb: {  	s0 =	sadd.s32 $0x8F2B, s0  }
0xbc: {  	[sflag:s0] =	ssyncadd.remote.s32 $0x1  }
0xbd: {  	_ =	sfence.sel $0xFFFF  }
0xbe: {  	[dreg:$0x0] =	wrdreg $0xFFFFFFFF;
	(pc) =	sbr.abs _section_cstart, $3  }
0xbf: {  	[dreg:$0x1] =	wrdreg $0xFFFFFFFF  }
0xc0: {  	_ =	task.clear_ibuf [dreg:s6], $0x2FFFF;
	_ =	strace $0x9FFFFFFF  }
0xc1: {  	(tm) =	ssettm $0x7FFFFFFF  }
tec
execute0_lowered:
.L_overlay_start_1:
0x0: {  	(tag) =	ssettag $0x1  }
0x1: {  	s0 =	srdreg.scid  }
0x2: {  	s4 =	rddreg [dreg:$0x0];
	s3 =	sand.u32 $0x1, s0  }
0x3: {  	s2 =	simm.s32 $0x0;
	s0 =	stileid.u32;
	s1 =	sshll.u32 s3, $0x4  }
0x4: {  	s8 =	simm.s32 $0x2;
	s9 =	simm.s32 $0x0;
	s5 =	sor.u32 s0, s1  }
0x5: {  	[smem:$0x7FF] =	sst s2;
	s3 =	ssub.s32 $0x2, s3;
	s6 =	smul.u32 $0x4F0, s5  }
0x6: {  	s1 =	rddreg [dreg:$0x1];
	s7 =	sshrl.u32 s3, $0x1;
	s5 =	smul.u32 $0x500, s5  }
0x7: {  	_ =	strace $0x80000047;
	s31 =	ssub.s32 s3, s7;
	s7 =	simm.s32 $0x1  }
0x8: {  	s6 =	sadd.s32 s6, s4;
	s4 =	sadd.s32 s5, s4;
	s5 =	smax.u32 s31, $0x1  }
0x9: {  	v0 =	vimm.f32 $0.0e+00;
	v1 =	vimm.f32 $1.000000000e+00;
	s3 =	sadd.s32 $0x1600, s6;
	s4 =	sadd.s32 $0xB400, s4;
	s6 =	simm.s32 $0x2800  }
.LBB2_1:
0xa: {  	[tilespmem:s6], [sflag:$0x1] =	stream.linear.gather [hbm4b:s3+s2], $0x2780, $0x38;
	[tilespmem:$0x4F80] =	vst v63  }
0xb: {  	s10 =	simm.s32 $0x40;
	s11 =	simm.s32 $0x0  }
.LBB2_2:
0xc: {  	p0 =	sne.s32 s10, $0x9FC0;
	[tilespmem:s11+$0x0] =	vst v0;
	s11 =	smov.u32 s10;
	s10 =	sadd.s32 $0x40, s10  }
.Ltmp0:
0xd: {  	(pc) =	sbr.rel @p0 .LBB2_2-.Ltmp0, $2  }
0xe: {  	_ =	sdelay $0x2  }
0xf: {  	s11 =	sshra.s32 s11, $0x2  }
0x10: {  	[tilespmem:s11+$0x0] =	vst v0  }
0x11: {  	_ =	swait.ge [sflag:s7], $0x2780  }
0x12: {  	[sflag:s7] =	ssyncset.done $0x0  }
0x13: {  	s10 =	simm.s32 $0x0;
	[sflag:s7] =	ssyncadd.s32 $0xFFFFD880  }
.LBB2_4:
0x14: {  	s11 =	sshra.s32 s10, $0x2  }
0x15: {  	v2 =	vld [tilespmem:s11+$0x2800];
	_ =	sdelay $0x7  }
0x16: {  	[tilespmem:v2+s2+$0x0] =	vst.idx.add.f32.msk $0xffff, v1  }
0x17: {  	v2 =	vld [tilespmem:s11+$0x2810];
	_ =	sdelay $0x7  }
0x18: {  	[tilespmem:v2+s2+$0x0] =	vst.idx.add.f32.msk $0xffff, v1  }
0x19: {  	v2 =	vld [tilespmem:s11+$0x2820];
	_ =	sdelay $0x7  }
0x1a: {  	[tilespmem:v2+s2+$0x0] =	vst.idx.add.f32.msk $0xffff, v1  }
0x1b: {  	v2 =	vld [tilespmem:s11+$0x2830];
	_ =	sdelay $0x7  }
0x1c: {  	[tilespmem:v2+s2+$0x0] =	vst.idx.add.f32.msk $0xffff, v1  }
0x1d: {  	v2 =	vld [tilespmem:s11+$0x2840];
	_ =	sdelay $0x7  }
0x1e: {  	[tilespmem:v2+s2+$0x0] =	vst.idx.add.f32.msk $0xffff, v1  }
0x1f: {  	v2 =	vld [tilespmem:s11+$0x2850];
	_ =	sdelay $0x7  }
0x20: {  	[tilespmem:v2+s2+$0x0] =	vst.idx.add.f32.msk $0xffff, v1  }
0x21: {  	v2 =	vld [tilespmem:s11+$0x2860];
	_ =	sdelay $0x7  }
0x22: {  	[tilespmem:v2+s2+$0x0] =	vst.idx.add.f32.msk $0xffff, v1  }
0x23: {  	v2 =	vld [tilespmem:s11+$0x2870];
	_ =	sdelay $0x2  }
0x24: {  	p0 =	sne.s32 s10, $0x9C00  }
.Ltmp1:
0x25: {  	_ = 	snop;
	(pc) =	sbr.rel @p0 .LBB2_4-.Ltmp1, $2  }
0x26: {  	_ =	sdelay $0x2  }
0x27: {  	s10 =	sadd.s32 $0x200, s10;
	[tilespmem:v2+s2+$0x0] =	vst.idx.add.f32.msk $0xffff, v1  }
0x28: {  	s9 =	sadd.s32 $0x1, s9  }
0x29: {  	p0 =	sne.s32 s9, s5  }
.Ltmp2:
0x2a: {  	_ = 	snop;
	(pc) =	sbr.rel @p0 .LBB2_1-.Ltmp2, $4  }
0x2b: {  	[hbm4b:s4+s2] =	stream.linear.scatter [tilespmem:s2], [sflag:$0x2], $0x2800, $0x38;
	[tilespmem:$0x4F80] =	vst v63  }
0x2c: {  	_ =	swait.ge [sflag:s8], $0x2800  }
0x2d: {  	[sflag:s8] =	ssyncset.done $0x0  }
0x2e: {  	[sflag:s8] =	ssyncadd.s32 $0xFFFFD800  }
0x2f: {  	_ =	sfence.sel $0x180000  }
0x30: {  	[bflag:$0x0] =	sbarrier.arrive $0xFFFF  }
0x31: {  	p0 =	sne.s32 s0, $0x0;
	_ =	strace $0x90000047  }
0x32: {  	s0 =	sadd.s32 @!p0 $0x100000, s1;
	[bflag:$0x2] =	sbarrier.arrive $0xFFFF  }
0x33: {  	[sflag:s0] =	ssyncadd.tile.s32 @!p0 $0x1;
	_ =	shalt  }
.Lfunc_end2:
_tile_overlayer_lowered:
.L_overlay_start_2:
0x34: {  	(tag) =	ssettag $0x2  }
0x35: {  	s0 =	rddreg [dreg:$0x0];
	s2 =	stileid.u32  }
0x36: {  	s1 =	rddreg [dreg:$0x1];
	p0 =	sne.s32 s2, $0x0  }
0x37: {  	s3 =	rddreg [dreg:$0x2];
	[bflag:$0x3] =	sbarrier.arrive $0xFFFF;
	s2 =	simm.s32 @!p0 $0x1C02  }
0x38: {  	[timem:s3], [sflag:s2] =	dma.local @!p0 [hbm:s0], s1  }
0x39: {  	s0 =	simm.s32 @!p0 $0x2  }
0x3a: {  	_ =	swait.ge @!p0 [sflag:s0], s1  }
0x3b: {  	s1 =	ssub.s32 @!p0 $0x0, s1;
	[sflag:s0] =	ssyncset.done @!p0 $0x0  }
0x3c: {  	[sflag:s0] =	ssyncadd.s32 @!p0 s1  }
0x3d: {  	[bflag:$0x3] =	sbarrier.arrive $0xFFFF  }
0x3e: {  	_ =	shalt  }

</sc_bundles>
